<compile_context>
chip_gen: v7x
topology: tpu7x:2x2x1
jax: 0.10.2.dev20260603
libtpu: 0.0.44.dev20260713+nightly
codegen_flags: <defaults>
</compile_context>

<pallas_src>
import functools

import jax
import jax.numpy as jnp
from jax import lax
from jax.experimental import pallas as pl
from jax.experimental.pallas import tpu as pltpu
from jax.experimental.pallas import tpu_sc as plsc

N = 10000
E = 320000
NC, NS, L = 2, 16, 16
NW = NC * NS
EPW = E // NW
C = 128
NCH = EPW // C
TAIL = EPW - NCH * C
NP = 10240
RPT = NP // NS
F = 64
RB = 1024
_mesh = plsc.VectorSubcoreMesh(
    core_axis_name="c", subcore_axis_name="s", num_cores=NC, num_subcores=NS)


def _sc_degree(dst, zeros_n):

    @functools.partial(
        pl.kernel,
        out_type=jax.ShapeDtypeStruct((NW, NP), jnp.float32),
        mesh=_mesh,
        scratch_types=[
            pltpu.VMEM((EPW,), jnp.int32),
            pltpu.VMEM((NP,), jnp.float32),
        ],
        compiler_params=pltpu.CompilerParams(needs_layout_passes=False),
    )
    def body(dst_hbm, zeros_hbm, out_hbm, idx_v, hist_v):
        cid = lax.axis_index("c")
        sid = lax.axis_index("s")
        wid = sid * NC + cid
        pltpu.sync_copy(zeros_hbm, hist_v)
        pltpu.sync_copy(dst_hbm.at[pl.ds(wid * EPW, EPW)], idx_v)
        ones = jnp.ones((L,), jnp.float32)

        def step(j, carry):
            for u in range(5):
                idx = idx_v[pl.ds((j * 5 + u) * L, L)]
                plsc.addupdate_scatter(hist_v, [idx], ones)
            return carry

        lax.fori_loop(0, EPW // (5 * L), step, 0)
        pltpu.sync_copy(hist_v, out_hbm.at[wid])

    return body(dst, zeros_n)


def _sc_aggregate(yw, src, dst, zeros_t):

    @functools.partial(
        pl.kernel,
        out_type=jax.ShapeDtypeStruct((NC, NP, F), jnp.float32),
        mesh=_mesh,
        scratch_types=[
            pltpu.VMEM((EPW,), jnp.int32),
            pltpu.VMEM((EPW,), jnp.int32),
            pltpu.VMEM((C, F), jnp.float32),
            pltpu.VMEM((C, F), jnp.float32),
            pltpu.VMEM((C, F), jnp.float32),
            pltpu.VMEM((TAIL, F), jnp.float32),
            pltpu.VMEM_SHARED((NP, F), jnp.float32),
            pltpu.SemaphoreType.DMA,
            pltpu.SemaphoreType.DMA,
            pltpu.SemaphoreType.DMA,
            pltpu.SemaphoreType.DMA,
            pltpu.SemaphoreType.DMA,
            pltpu.SemaphoreType.DMA,
        ],
        compiler_params=pltpu.CompilerParams(
            needs_layout_passes=False, use_tc_tiling_on_sc=False),
    )
    def body(yw_hbm, src_hbm, dst_hbm, zeros_hbm, out_hbm, sidx, didx,
             r0, r1, r2, rt, acc, g0, g1, g2, s0, s1, s2):
        cid = lax.axis_index("c")
        sid = lax.axis_index("s")
        wid = sid * NC + cid
        row_b = (r0, r1, r2)
        gs = (g0, g1, g2)
        ss = (s0, s1, s2)
        pltpu.sync_copy(zeros_hbm, acc.at[pl.ds(sid * RPT, RPT)])
        plsc.subcore_barrier()

        base = wid * EPW
        pltpu.sync_copy(src_hbm.at[pl.ds(base, EPW)], sidx)
        pltpu.sync_copy(dst_hbm.at[pl.ds(base, EPW)], didx)

        def start_gather(m, rb, gb):
            pltpu.async_copy(yw_hbm.at[sidx.at[pl.ds(m * C, C)]], rb, gb)

        def wait_gather(m, rb, gb):
            pltpu.make_async_copy(yw_hbm.at[sidx.at[pl.ds(m * C, C)]], rb, gb).wait()

        def dchunk(m):
            return didx.at[pl.ds(m * C, C)]

        start_gather(0, r0, g0)
        start_gather(1, r1, g1)

        def triple(i, carry):
            for b in range(3):
                k = i * 3 + b
                bm1 = (b + 2) % 3
                wait_gather(k, row_b[b], gs[b])
                pltpu.async_copy(row_b[b], acc.at[dchunk(k)], ss[b], add=True)

                @pl.when(k >= 1)
                def _wait_prev_scatter():
                    pltpu.make_async_copy(
                        row_b[bm1], acc.at[dchunk(k - 1)], ss[bm1]).wait()

                @pl.when(k + 2 < NCH)
                def _prefetch():
                    start_gather(k + 2, row_b[bm1], gs[bm1])

            return carry

        lax.fori_loop(0, NCH // 3, triple, 0)
        _blast = (NCH - 1) % 3
        pltpu.make_async_copy(row_b[_blast], acc.at[dchunk(NCH - 1)], ss[_blast]).wait()
        pltpu.async_copy(yw_hbm.at[sidx.at[pl.ds(NCH * C, TAIL)]], rt, g0).wait()
        pltpu.sync_copy(rt, acc.at[didx.at[pl.ds(NCH * C, TAIL)]], add=True)
        plsc.subcore_barrier()
        pltpu.sync_copy(acc.at[pl.ds(sid * RPT, RPT)],
                        out_hbm.at[cid, pl.ds(sid * RPT, RPT)])

    return body(yw, src, dst, zeros_t)


def _tc_prep(x_p, W1, degp):

    def body(x_ref, w_ref, degp_ref, dis_ref, yw_ref):
        deg = jnp.sum(degp_ref[...], axis=0) + 1.0
        dis = lax.rsqrt(deg)[:, None]
        xw = jnp.dot(x_ref[...], w_ref[...], preferred_element_type=jnp.float32)
        dis_ref[...] = dis
        yw_ref[...] = xw * dis

    return pl.pallas_call(
        body,
        grid=(NP // RB,),
        in_specs=[
            pl.BlockSpec((RB, 128), lambda i: (i, 0)),
            pl.BlockSpec((128, F), lambda i: (0, 0)),
            pl.BlockSpec((NW, RB), lambda i: (0, i)),
        ],
        out_specs=[
            pl.BlockSpec((RB, 1), lambda i: (i, 0)),
            pl.BlockSpec((RB, F), lambda i: (i, 0)),
        ],
        out_shape=[
            jax.ShapeDtypeStruct((NP, 1), jnp.float32),
            jax.ShapeDtypeStruct((NP, F), jnp.float32),
        ],
    )(x_p, W1, degp)


def _tc_layer(p, yw_prev, dis, b, W_next):

    def body(p_ref, yw_ref, dis_ref, b_ref, w_ref, out_ref):
        dis = dis_ref[...]
        agg = jnp.sum(p_ref[...], axis=0) + yw_ref[...]
        h = jnp.maximum(agg * dis + b_ref[...], 0.0)
        out_ref[...] = jnp.dot(h, w_ref[...],
                               preferred_element_type=jnp.float32) * dis

    return pl.pallas_call(
        body,
        grid=(NP // RB,),
        in_specs=[
            pl.BlockSpec((NC, RB, F), lambda i: (0, i, 0)),
            pl.BlockSpec((RB, F), lambda i: (i, 0)),
            pl.BlockSpec((RB, 1), lambda i: (i, 0)),
            pl.BlockSpec((1, F), lambda i: (0, 0)),
            pl.BlockSpec((F, F), lambda i: (0, 0)),
        ],
        out_specs=pl.BlockSpec((RB, F), lambda i: (i, 0)),
        out_shape=jax.ShapeDtypeStruct((NP, F), jnp.float32),
    )(p, yw_prev, dis, b.reshape(1, F), W_next)


def _tc_final(p, yw_prev, dis, b, Wl, bl):

    def body(p_ref, yw_ref, dis_ref, b_ref, wl_ref, bl_ref, h_ref, z_ref):
        dis = dis_ref[...]
        agg = jnp.sum(p_ref[...], axis=0) + yw_ref[...]
        h = jnp.maximum(agg * dis + b_ref[...], 0.0)
        h_ref[...] = h
        z_ref[...] = jnp.dot(h, wl_ref[...],
                             preferred_element_type=jnp.float32) + bl_ref[...]

    return pl.pallas_call(
        body,
        grid=(NP // RB,),
        in_specs=[
            pl.BlockSpec((NC, RB, F), lambda i: (0, i, 0)),
            pl.BlockSpec((RB, F), lambda i: (i, 0)),
            pl.BlockSpec((RB, 1), lambda i: (i, 0)),
            pl.BlockSpec((1, F), lambda i: (0, 0)),
            pl.BlockSpec((F, 4), lambda i: (0, 0)),
            pl.BlockSpec((1, 4), lambda i: (0, 0)),
        ],
        out_specs=[
            pl.BlockSpec((RB, F), lambda i: (i, 0)),
            pl.BlockSpec((RB, 4), lambda i: (i, 0)),
        ],
        out_shape=[
            jax.ShapeDtypeStruct((NP, F), jnp.float32),
            jax.ShapeDtypeStruct((NP, 4), jnp.float32),
        ],
    )(p, yw_prev, dis, b.reshape(1, F), Wl, bl.reshape(1, 4))


def kernel(x, W1, b1, W2, b2, Wl, bl, edges):
    src = edges[0]
    dst = edges[1]
    zeros_n = jnp.zeros((NP,), jnp.float32)
    zeros_t = jnp.zeros((RPT, F), jnp.float32)
    x_p = jnp.concatenate([x, jnp.zeros((NP - N, 128), jnp.float32)], axis=0)

    degp = _sc_degree(dst, zeros_n)
    dis, yw1 = _tc_prep(x_p, W1, degp)
    p1 = _sc_aggregate(yw1, src, dst, zeros_t)
    yw2 = _tc_layer(p1, yw1, dis, b1, W2)
    p2 = _sc_aggregate(yw2, src, dst, zeros_t)
    h_p, z_p = _tc_final(p2, yw2, dis, b2, Wl, bl)
    return (h_p[:N], z_p[:N])

# --- scband reference (transcript-rebuilt; emitter-appended) ---
"""Pipeline reference for scband-gcn-4690104287763 (READ-ONLY COPY).

The authoritative reference and input builder live on the scoring server;
editing this copy changes nothing except your own understanding.
"""

import jax, jax.numpy as jnp
import numpy as np

N = 10000
E = 320000


def _glorot(key, shape):
    fan_in = shape[0]
    return (jax.random.normal(key, shape, dtype=jnp.float32) / np.sqrt(fan_in)).astype(jnp.float32)


def setup_inputs(seed: int = 0):
    key = jax.random.key(seed)
    ks = jax.random.split(key, 8)
    x = jax.random.normal(ks[0], (N, 128), dtype=jnp.float32)
    edges = jax.random.randint(ks[1], (2, E), 0, N, dtype=jnp.int32)
    W1 = _glorot(ks[2], (128, 64))
    b1 = jnp.zeros((64,), dtype=jnp.float32)
    W2 = _glorot(ks[3], (64, 64))
    b2 = jnp.zeros((64,), dtype=jnp.float32)
    Wl = _glorot(ks[4], (64, 4))
    bl = jnp.zeros((4,), dtype=jnp.float32)
    return {"x": x, "W1": W1, "b1": b1, "W2": W2, "b2": b2, "Wl": Wl, "bl": bl, "edges": edges}


def gcn_conv(x, edge_index, W, b):
    # PyG-style GCNConv: linear transform, add self-loops, symmetric normalization, sum-aggregate, bias
    n = x.shape[0]
    xw = x @ W
    loop = jnp.arange(n, dtype=edge_index.dtype)
    src = jnp.concatenate([edge_index[0], loop])
    dst = jnp.concatenate([edge_index[1], loop])
    deg = jnp.zeros((n,), dtype=xw.dtype).at[dst].add(1.0)
    dis = jnp.where(deg > 0, jax.lax.rsqrt(deg), 0.0)
    norm = dis[src] * dis[dst]
    msg = xw[src] * norm[:, None]
    out = jnp.zeros((n, xw.shape[1]), dtype=xw.dtype).at[dst].add(msg)
    return out + b


def reference(x, W1, b1, W2, b2, Wl, bl, edges):
    h = jax.nn.relu(gcn_conv(x, edges, W1, b1))
    h = jax.nn.relu(gcn_conv(h, edges, W2, b2))
    z = h @ Wl + bl
    return (h, z)

if __name__ == "__main__":
    import jax
    _d = setup_inputs()
    print(jax.jit(kernel)(*tuple(_d.values())))

</pallas_src>

<mosaic_0001>
#map = affine_map<(d0, d1) -> (0, 0)>
#map1 = affine_map<(d0, d1) -> (0)>
#map2 = affine_map<(d0, d1) -> (0, 0, 0)>
module attributes {stable_mosaic.version = 14 : i64} {
  func.func @body(%arg0: i32, %arg1: i32, %arg2: memref<10240x64xf32, #tpu.memory_space<hbm>>, %arg3: memref<320000xi32, #tpu.memory_space<hbm>>, %arg4: memref<320000xi32, #tpu.memory_space<hbm>>, %arg5: memref<640x64xf32, #tpu.memory_space<hbm>>, %arg6: memref<2x10240x64xf32, #tpu.memory_space<hbm>>, %arg7: memref<10000xi32, #tpu.memory_space<vmem>>, %arg8: memref<10000xi32, #tpu.memory_space<vmem>>, %arg9: memref<128x64xf32, #tpu.memory_space<vmem>>, %arg10: memref<128x64xf32, #tpu.memory_space<vmem>>, %arg11: memref<128x64xf32, #tpu.memory_space<vmem>>, %arg12: memref<16x64xf32, #tpu.memory_space<vmem>>, %arg13: memref<10240x64xf32, #tpu.memory_space<vmem_shared>>, %arg14: memref<!tpu.dma_semaphore, #tpu.memory_space<semaphore_mem>>, %arg15: memref<!tpu.dma_semaphore, #tpu.memory_space<semaphore_mem>>, %arg16: memref<!tpu.dma_semaphore, #tpu.memory_space<semaphore_mem>>, %arg17: memref<!tpu.dma_semaphore, #tpu.memory_space<semaphore_mem>>, %arg18: memref<!tpu.dma_semaphore, #tpu.memory_space<semaphore_mem>>, %arg19: memref<!tpu.dma_semaphore, #tpu.memory_space<semaphore_mem>>) attributes {dimension_semantics = [#tpu.dimension_semantics<core_parallel>, #tpu.dimension_semantics<subcore_parallel>], iteration_bounds = array<i64: 2, 16>, scalar_prefetch = 0 : i64, scratch_operands = 13 : i64, tpu.core_type = #tpu.core_type<sc_vector_subcore>, window_params = [{transform_indices = #map}, {transform_indices = #map1}, {transform_indices = #map1}, {transform_indices = #map}, {transform_indices = #map2}]} {
    %mul3A = arith.constant 2 : i32
    %mul3A_0 = arith.muli %arg1, %mul3A : i32
    %add3A = arith.addi %mul3A_0, %arg0 : i32
    %mul3A_1 = arith.constant 640 : i32
    %mul3A_2 = arith.muli %arg1, %mul3A_1 : i32
    "tpu.region"() ({
      %run_scoped3A = tpu.sem_alloc : memref<!tpu.dma_semaphore, #tpu.memory_space<semaphore_mem>>
      %dma_start3A_38 = arith.constant 0 : i32
      %dma_start3A_39 = tpu.memref_slice %arg13[%mul3A_2, %dma_start3A_38] : memref<10240x64xf32, #tpu.memory_space<vmem_shared>> -> memref<640x64xf32, #tpu.memory_space<vmem_shared>>
      tpu.enqueue_dma source(%arg5 : memref<640x64xf32, #tpu.memory_space<hbm>>) target(%dma_start3A_39 : memref<640x64xf32, #tpu.memory_space<vmem_shared>>) target_semaphore(%run_scoped3A : memref<!tpu.dma_semaphore, #tpu.memory_space<semaphore_mem>>)
      %dma_wait3A_40 = arith.constant 0 : i32
      %dma_wait3A_41 = tpu.memref_slice %arg13[%mul3A_2, %dma_wait3A_40] : memref<10240x64xf32, #tpu.memory_space<vmem_shared>> -> memref<640x64xf32, #tpu.memory_space<vmem_shared>>
      tpu.wait_dma2 semaphore(%run_scoped3A : memref<!tpu.dma_semaphore, #tpu.memory_space<semaphore_mem>>) src(%arg5 : memref<640x64xf32, #tpu.memory_space<hbm>>) dst(%dma_wait3A_41 : memref<640x64xf32, #tpu.memory_space<vmem_shared>>)
      tpu.yield
    }) : () -> ()
    %barrier3A = arith.constant 0 : index
    tpu.barrier barrier_id(%barrier3A)
    %mul3A_3 = arith.constant 10000 : i32
    %mul3A_4 = arith.muli %add3A, %mul3A_3 : i32
    "tpu.region"() ({
      %run_scoped3A = tpu.sem_alloc : memref<!tpu.dma_semaphore, #tpu.memory_space<semaphore_mem>>
      %dma_start3A_38 = tpu.memref_slice %arg3[%mul3A_4] : memref<320000xi32, #tpu.memory_space<hbm>> -> memref<10000xi32, #tpu.memory_space<hbm>>
      %dma_start3A_39 = tpu.memref_slice %arg3[%mul3A_4] : memref<320000xi32, #tpu.memory_space<hbm>> -> memref<10000xi32, #tpu.memory_space<hbm>>
      tpu.enqueue_dma source(%dma_start3A_39 : memref<10000xi32, #tpu.memory_space<hbm>>) target(%arg7 : memref<10000xi32, #tpu.memory_space<vmem>>) target_semaphore(%run_scoped3A : memref<!tpu.dma_semaphore, #tpu.memory_space<semaphore_mem>>)
      %dma_wait3A_40 = tpu.memref_slice %arg3[%mul3A_4] : memref<320000xi32, #tpu.memory_space<hbm>> -> memref<10000xi32, #tpu.memory_space<hbm>>
      %dma_wait3A_41 = tpu.memref_slice %arg3[%mul3A_4] : memref<320000xi32, #tpu.memory_space<hbm>> -> memref<10000xi32, #tpu.memory_space<hbm>>
      tpu.wait_dma2 semaphore(%run_scoped3A : memref<!tpu.dma_semaphore, #tpu.memory_space<semaphore_mem>>) src(%dma_wait3A_41 : memref<10000xi32, #tpu.memory_space<hbm>>) dst(%arg7 : memref<10000xi32, #tpu.memory_space<vmem>>)
      tpu.yield
    }) : () -> ()
    "tpu.region"() ({
      %run_scoped3A = tpu.sem_alloc : memref<!tpu.dma_semaphore, #tpu.memory_space<semaphore_mem>>
      %dma_start3A_38 = tpu.memref_slice %arg4[%mul3A_4] : memref<320000xi32, #tpu.memory_space<hbm>> -> memref<10000xi32, #tpu.memory_space<hbm>>
      %dma_start3A_39 = tpu.memref_slice %arg4[%mul3A_4] : memref<320000xi32, #tpu.memory_space<hbm>> -> memref<10000xi32, #tpu.memory_space<hbm>>
      tpu.enqueue_dma source(%dma_start3A_39 : memref<10000xi32, #tpu.memory_space<hbm>>) target(%arg8 : memref<10000xi32, #tpu.memory_space<vmem>>) target_semaphore(%run_scoped3A : memref<!tpu.dma_semaphore, #tpu.memory_space<semaphore_mem>>)
      %dma_wait3A_40 = tpu.memref_slice %arg4[%mul3A_4] : memref<320000xi32, #tpu.memory_space<hbm>> -> memref<10000xi32, #tpu.memory_space<hbm>>
      %dma_wait3A_41 = tpu.memref_slice %arg4[%mul3A_4] : memref<320000xi32, #tpu.memory_space<hbm>> -> memref<10000xi32, #tpu.memory_space<hbm>>
      tpu.wait_dma2 semaphore(%run_scoped3A : memref<!tpu.dma_semaphore, #tpu.memory_space<semaphore_mem>>) src(%dma_wait3A_41 : memref<10000xi32, #tpu.memory_space<hbm>>) dst(%arg8 : memref<10000xi32, #tpu.memory_space<vmem>>)
      tpu.yield
    }) : () -> ()
    %dma_start3A = arith.constant 0 : i32
    %dma_start3A_5 = tpu.memref_slice %arg7[%dma_start3A] : memref<10000xi32, #tpu.memory_space<vmem>> -> memref<128xi32, #tpu.memory_space<vmem>>
    %dma_start3A_6 = arith.constant 0 : i32
    %dma_start3A_7 = arith.constant 0 : i32
    %dma_start3A_8 = tpu.memref_slice %arg2[%dma_start3A_6, %dma_start3A_7] : memref<10240x64xf32, #tpu.memory_space<hbm>> -> memref<10240x64xf32, #tpu.memory_space<hbm>>
    tpu.enqueue_indirect_dma source(%dma_start3A_8 : memref<10240x64xf32, #tpu.memory_space<hbm>>) target(%arg9 : memref<128x64xf32, #tpu.memory_space<vmem>>) offsets(%dma_start3A_5 : memref<128xi32, #tpu.memory_space<vmem>>) semaphore(%arg14 : memref<!tpu.dma_semaphore, #tpu.memory_space<semaphore_mem>>)
    %dma_start3A_9 = arith.constant 128 : i32
    %dma_start3A_10 = tpu.memref_slice %arg7[%dma_start3A_9] : memref<10000xi32, #tpu.memory_space<vmem>> -> memref<128xi32, #tpu.memory_space<vmem>>
    %dma_start3A_11 = arith.constant 0 : i32
    %dma_start3A_12 = arith.constant 0 : i32
    %dma_start3A_13 = tpu.memref_slice %arg2[%dma_start3A_11, %dma_start3A_12] : memref<10240x64xf32, #tpu.memory_space<hbm>> -> memref<10240x64xf32, #tpu.memory_space<hbm>>
    tpu.enqueue_indirect_dma source(%dma_start3A_13 : memref<10240x64xf32, #tpu.memory_space<hbm>>) target(%arg10 : memref<128x64xf32, #tpu.memory_space<vmem>>) offsets(%dma_start3A_10 : memref<128xi32, #tpu.memory_space<vmem>>) semaphore(%arg15 : memref<!tpu.dma_semaphore, #tpu.memory_space<semaphore_mem>>)
    %scan3A = arith.constant 0 : i32
    %scan3A_14 = arith.constant 0 : i32
    %scan3A_15 = arith.constant 26 : i32
    %scan3A_16 = arith.addi %scan3A_14, %scan3A_15 : i32
    %scan3A_17 = arith.constant 1 : i32
    scf.for %scan3A_38 = %scan3A_14 to %scan3A_16 step %scan3A_17  : i32 {
      %mul3A_39 = arith.constant 3 : i32
      %mul3A_40 = arith.muli %scan3A_38, %mul3A_39 : i32
      %add3A_41 = arith.constant 0 : i32
      %add3A_42 = arith.addi %mul3A_40, %add3A_41 : i32
      %mul3A_43 = arith.constant 128 : i32
      %mul3A_44 = arith.muli %add3A_42, %mul3A_43 : i32
      %dma_wait3A_45 = tpu.memref_slice %arg7[%mul3A_44] : memref<10000xi32, #tpu.memory_space<vmem>> -> memref<128xi32, #tpu.memory_space<vmem>>
      %dma_wait3A_46 = arith.constant 0 : i32
      %dma_wait3A_47 = arith.constant 0 : i32
      %dma_wait3A_48 = tpu.memref_slice %arg2[%dma_wait3A_46, %dma_wait3A_47] : memref<10240x64xf32, #tpu.memory_space<hbm>> -> memref<10240x64xf32, #tpu.memory_space<hbm>>
      tpu.wait_indirect_dma semaphore(%arg14 : memref<!tpu.dma_semaphore, #tpu.memory_space<semaphore_mem>>) src(%dma_wait3A_48 : memref<10240x64xf32, #tpu.memory_space<hbm>>) dst(%arg9 : memref<128x64xf32, #tpu.memory_space<vmem>>)
      %mul3A_49 = arith.constant 128 : i32
      %mul3A_50 = arith.muli %add3A_42, %mul3A_49 : i32
      %dma_start3A_51 = tpu.memref_slice %arg8[%mul3A_50] : memref<10000xi32, #tpu.memory_space<vmem>> -> memref<128xi32, #tpu.memory_space<vmem>>
      %dma_start3A_52 = arith.constant 0 : i32
      %dma_start3A_53 = arith.constant 0 : i32
      %dma_start3A_54 = tpu.memref_slice %arg13[%dma_start3A_52, %dma_start3A_53] : memref<10240x64xf32, #tpu.memory_space<vmem_shared>> -> memref<10240x64xf32, #tpu.memory_space<vmem_shared>>
      tpu.enqueue_indirect_dma source(%arg9 : memref<128x64xf32, #tpu.memory_space<vmem>>) target(%dma_start3A_54 : memref<10240x64xf32, #tpu.memory_space<vmem_shared>>) offsets(%dma_start3A_51 : memref<128xi32, #tpu.memory_space<vmem>>) semaphore(%arg17 : memref<!tpu.dma_semaphore, #tpu.memory_space<semaphore_mem>>) {add = true}
      %ge3A = arith.constant 1 : i32
      %ge3A_55 = arith.cmpi sge, %add3A_42, %ge3A : i32
      %convert_element_type3A = arith.extui %ge3A_55 : i1 to i32
      %cond3A = arith.constant 0 : i32
      %cond3A_56 = arith.cmpi ne, %convert_element_type3A, %cond3A : i32
      scf.if %cond3A_56 {
        %sub3A = arith.constant 1 : i32
        %sub3A_119 = arith.subi %add3A_42, %sub3A : i32
        %mul3A_120 = arith.constant 128 : i32
        %mul3A_121 = arith.muli %sub3A_119, %mul3A_120 : i32
        %dma_wait3A_122 = tpu.memref_slice %arg8[%mul3A_121] : memref<10000xi32, #tpu.memory_space<vmem>> -> memref<128xi32, #tpu.memory_space<vmem>>
        %dma_wait3A_123 = arith.constant 0 : i32
        %dma_wait3A_124 = arith.constant 0 : i32
        %dma_wait3A_125 = tpu.memref_slice %arg13[%dma_wait3A_123, %dma_wait3A_124] : memref<10240x64xf32, #tpu.memory_space<vmem_shared>> -> memref<10240x64xf32, #tpu.memory_space<vmem_shared>>
        tpu.wait_indirect_dma semaphore(%arg19 : memref<!tpu.dma_semaphore, #tpu.memory_space<semaphore_mem>>) src(%arg11 : memref<128x64xf32, #tpu.memory_space<vmem>>) dst(%dma_wait3A_125 : memref<10240x64xf32, #tpu.memory_space<vmem_shared>>)
      } else {
      }
      %add3A_57 = arith.constant 2 : i32
      %add3A_58 = arith.addi %add3A_42, %add3A_57 : i32
      %lt3A = arith.constant 78 : i32
      %lt3A_59 = arith.cmpi slt, %add3A_58, %lt3A : i32
      %convert_element_type3A_60 = arith.extui %lt3A_59 : i1 to i32
      %cond3A_61 = arith.constant 0 : i32
      %cond3A_62 = arith.cmpi ne, %convert_element_type3A_60, %cond3A_61 : i32
      scf.if %cond3A_62 {
        %add3A_119 = arith.constant 2 : i32
        %add3A_120 = arith.addi %add3A_42, %add3A_119 : i32
        %mul3A_121 = arith.constant 128 : i32
        %mul3A_122 = arith.muli %add3A_120, %mul3A_121 : i32
        %dma_start3A_123 = tpu.memref_slice %arg7[%mul3A_122] : memref<10000xi32, #tpu.memory_space<vmem>> -> memref<128xi32, #tpu.memory_space<vmem>>
        %dma_start3A_124 = arith.constant 0 : i32
        %dma_start3A_125 = arith.constant 0 : i32
        %dma_start3A_126 = tpu.memref_slice %arg2[%dma_start3A_124, %dma_start3A_125] : memref<10240x64xf32, #tpu.memory_space<hbm>> -> memref<10240x64xf32, #tpu.memory_space<hbm>>
        tpu.enqueue_indirect_dma source(%dma_start3A_126 : memref<10240x64xf32, #tpu.memory_space<hbm>>) target(%arg11 : memref<128x64xf32, #tpu.memory_space<vmem>>) offsets(%dma_start3A_123 : memref<128xi32, #tpu.memory_space<vmem>>) semaphore(%arg16 : memref<!tpu.dma_semaphore, #tpu.memory_space<semaphore_mem>>)
      } else {
      }
      %mul3A_63 = arith.constant 3 : i32
      %mul3A_64 = arith.muli %scan3A_38, %mul3A_63 : i32
      %add3A_65 = arith.constant 1 : i32
      %add3A_66 = arith.addi %mul3A_64, %add3A_65 : i32
      %mul3A_67 = arith.constant 128 : i32
      %mul3A_68 = arith.muli %add3A_66, %mul3A_67 : i32
      %dma_wait3A_69 = tpu.memref_slice %arg7[%mul3A_68] : memref<10000xi32, #tpu.memory_space<vmem>> -> memref<128xi32, #tpu.memory_space<vmem>>
      %dma_wait3A_70 = arith.constant 0 : i32
      %dma_wait3A_71 = arith.constant 0 : i32
      %dma_wait3A_72 = tpu.memref_slice %arg2[%dma_wait3A_70, %dma_wait3A_71] : memref<10240x64xf32, #tpu.memory_space<hbm>> -> memref<10240x64xf32, #tpu.memory_space<hbm>>
      tpu.wait_indirect_dma semaphore(%arg15 : memref<!tpu.dma_semaphore, #tpu.memory_space<semaphore_mem>>) src(%dma_wait3A_72 : memref<10240x64xf32, #tpu.memory_space<hbm>>) dst(%arg10 : memref<128x64xf32, #tpu.memory_space<vmem>>)
      %mul3A_73 = arith.constant 128 : i32
      %mul3A_74 = arith.muli %add3A_66, %mul3A_73 : i32
      %dma_start3A_75 = tpu.memref_slice %arg8[%mul3A_74] : memref<10000xi32, #tpu.memory_space<vmem>> -> memref<128xi32, #tpu.memory_space<vmem>>
      %dma_start3A_76 = arith.constant 0 : i32
      %dma_start3A_77 = arith.constant 0 : i32
      %dma_start3A_78 = tpu.memref_slice %arg13[%dma_start3A_76, %dma_start3A_77] : memref<10240x64xf32, #tpu.memory_space<vmem_shared>> -> memref<10240x64xf32, #tpu.memory_space<vmem_shared>>
      tpu.enqueue_indirect_dma source(%arg10 : memref<128x64xf32, #tpu.memory_space<vmem>>) target(%dma_start3A_78 : memref<10240x64xf32, #tpu.memory_space<vmem_shared>>) offsets(%dma_start3A_75 : memref<128xi32, #tpu.memory_space<vmem>>) semaphore(%arg18 : memref<!tpu.dma_semaphore, #tpu.memory_space<semaphore_mem>>) {add = true}
      %ge3A_79 = arith.constant 1 : i32
      %ge3A_80 = arith.cmpi sge, %add3A_66, %ge3A_79 : i32
      %convert_element_type3A_81 = arith.extui %ge3A_80 : i1 to i32
      %cond3A_82 = arith.constant 0 : i32
      %cond3A_83 = arith.cmpi ne, %convert_element_type3A_81, %cond3A_82 : i32
      scf.if %cond3A_83 {
        %sub3A = arith.constant 1 : i32
        %sub3A_119 = arith.subi %add3A_66, %sub3A : i32
        %mul3A_120 = arith.constant 128 : i32
        %mul3A_121 = arith.muli %sub3A_119, %mul3A_120 : i32
        %dma_wait3A_122 = tpu.memref_slice %arg8[%mul3A_121] : memref<10000xi32, #tpu.memory_space<vmem>> -> memref<128xi32, #tpu.memory_space<vmem>>
        %dma_wait3A_123 = arith.constant 0 : i32
        %dma_wait3A_124 = arith.constant 0 : i32
        %dma_wait3A_125 = tpu.memref_slice %arg13[%dma_wait3A_123, %dma_wait3A_124] : memref<10240x64xf32, #tpu.memory_space<vmem_shared>> -> memref<10240x64xf32, #tpu.memory_space<vmem_shared>>
        tpu.wait_indirect_dma semaphore(%arg17 : memref<!tpu.dma_semaphore, #tpu.memory_space<semaphore_mem>>) src(%arg9 : memref<128x64xf32, #tpu.memory_space<vmem>>) dst(%dma_wait3A_125 : memref<10240x64xf32, #tpu.memory_space<vmem_shared>>)
      } else {
      }
      %add3A_84 = arith.constant 2 : i32
      %add3A_85 = arith.addi %add3A_66, %add3A_84 : i32
      %lt3A_86 = arith.constant 78 : i32
      %lt3A_87 = arith.cmpi slt, %add3A_85, %lt3A_86 : i32
      %convert_element_type3A_88 = arith.extui %lt3A_87 : i1 to i32
      %cond3A_89 = arith.constant 0 : i32
      %cond3A_90 = arith.cmpi ne, %convert_element_type3A_88, %cond3A_89 : i32
      scf.if %cond3A_90 {
        %add3A_119 = arith.constant 2 : i32
        %add3A_120 = arith.addi %add3A_66, %add3A_119 : i32
        %mul3A_121 = arith.constant 128 : i32
        %mul3A_122 = arith.muli %add3A_120, %mul3A_121 : i32
        %dma_start3A_123 = tpu.memref_slice %arg7[%mul3A_122] : memref<10000xi32, #tpu.memory_space<vmem>> -> memref<128xi32, #tpu.memory_space<vmem>>
        %dma_start3A_124 = arith.constant 0 : i32
        %dma_start3A_125 = arith.constant 0 : i32
        %dma_start3A_126 = tpu.memref_slice %arg2[%dma_start3A_124, %dma_start3A_125] : memref<10240x64xf32, #tpu.memory_space<hbm>> -> memref<10240x64xf32, #tpu.memory_space<hbm>>
        tpu.enqueue_indirect_dma source(%dma_start3A_126 : memref<10240x64xf32, #tpu.memory_space<hbm>>) target(%arg9 : memref<128x64xf32, #tpu.memory_space<vmem>>) offsets(%dma_start3A_123 : memref<128xi32, #tpu.memory_space<vmem>>) semaphore(%arg14 : memref<!tpu.dma_semaphore, #tpu.memory_space<semaphore_mem>>)
      } else {
      }
      %mul3A_91 = arith.constant 3 : i32
      %mul3A_92 = arith.muli %scan3A_38, %mul3A_91 : i32
      %add3A_93 = arith.constant 2 : i32
      %add3A_94 = arith.addi %mul3A_92, %add3A_93 : i32
      %mul3A_95 = arith.constant 128 : i32
      %mul3A_96 = arith.muli %add3A_94, %mul3A_95 : i32
      %dma_wait3A_97 = tpu.memref_slice %arg7[%mul3A_96] : memref<10000xi32, #tpu.memory_space<vmem>> -> memref<128xi32, #tpu.memory_space<vmem>>
      %dma_wait3A_98 = arith.constant 0 : i32
      %dma_wait3A_99 = arith.constant 0 : i32
      %dma_wait3A_100 = tpu.memref_slice %arg2[%dma_wait3A_98, %dma_wait3A_99] : memref<10240x64xf32, #tpu.memory_space<hbm>> -> memref<10240x64xf32, #tpu.memory_space<hbm>>
      tpu.wait_indirect_dma semaphore(%arg16 : memref<!tpu.dma_semaphore, #tpu.memory_space<semaphore_mem>>) src(%dma_wait3A_100 : memref<10240x64xf32, #tpu.memory_space<hbm>>) dst(%arg11 : memref<128x64xf32, #tpu.memory_space<vmem>>)
      %mul3A_101 = arith.constant 128 : i32
      %mul3A_102 = arith.muli %add3A_94, %mul3A_101 : i32
      %dma_start3A_103 = tpu.memref_slice %arg8[%mul3A_102] : memref<10000xi32, #tpu.memory_space<vmem>> -> memref<128xi32, #tpu.memory_space<vmem>>
      %dma_start3A_104 = arith.constant 0 : i32
      %dma_start3A_105 = arith.constant 0 : i32
      %dma_start3A_106 = tpu.memref_slice %arg13[%dma_start3A_104, %dma_start3A_105] : memref<10240x64xf32, #tpu.memory_space<vmem_shared>> -> memref<10240x64xf32, #tpu.memory_space<vmem_shared>>
      tpu.enqueue_indirect_dma source(%arg11 : memref<128x64xf32, #tpu.memory_space<vmem>>) target(%dma_start3A_106 : memref<10240x64xf32, #tpu.memory_space<vmem_shared>>) offsets(%dma_start3A_103 : memref<128xi32, #tpu.memory_space<vmem>>) semaphore(%arg19 : memref<!tpu.dma_semaphore, #tpu.memory_space<semaphore_mem>>) {add = true}
      %ge3A_107 = arith.constant 1 : i32
      %ge3A_108 = arith.cmpi sge, %add3A_94, %ge3A_107 : i32
      %convert_element_type3A_109 = arith.extui %ge3A_108 : i1 to i32
      %cond3A_110 = arith.constant 0 : i32
      %cond3A_111 = arith.cmpi ne, %convert_element_type3A_109, %cond3A_110 : i32
      scf.if %cond3A_111 {
        %sub3A = arith.constant 1 : i32
        %sub3A_119 = arith.subi %add3A_94, %sub3A : i32
        %mul3A_120 = arith.constant 128 : i32
        %mul3A_121 = arith.muli %sub3A_119, %mul3A_120 : i32
        %dma_wait3A_122 = tpu.memref_slice %arg8[%mul3A_121] : memref<10000xi32, #tpu.memory_space<vmem>> -> memref<128xi32, #tpu.memory_space<vmem>>
        %dma_wait3A_123 = arith.constant 0 : i32
        %dma_wait3A_124 = arith.constant 0 : i32
        %dma_wait3A_125 = tpu.memref_slice %arg13[%dma_wait3A_123, %dma_wait3A_124] : memref<10240x64xf32, #tpu.memory_space<vmem_shared>> -> memref<10240x64xf32, #tpu.memory_space<vmem_shared>>
        tpu.wait_indirect_dma semaphore(%arg18 : memref<!tpu.dma_semaphore, #tpu.memory_space<semaphore_mem>>) src(%arg10 : memref<128x64xf32, #tpu.memory_space<vmem>>) dst(%dma_wait3A_125 : memref<10240x64xf32, #tpu.memory_space<vmem_shared>>)
      } else {
      }
      %add3A_112 = arith.constant 2 : i32
      %add3A_113 = arith.addi %add3A_94, %add3A_112 : i32
      %lt3A_114 = arith.constant 78 : i32
      %lt3A_115 = arith.cmpi slt, %add3A_113, %lt3A_114 : i32
      %convert_element_type3A_116 = arith.extui %lt3A_115 : i1 to i32
      %cond3A_117 = arith.constant 0 : i32
      %cond3A_118 = arith.cmpi ne, %convert_element_type3A_116, %cond3A_117 : i32
      scf.if %cond3A_118 {
        %add3A_119 = arith.constant 2 : i32
        %add3A_120 = arith.addi %add3A_94, %add3A_119 : i32
        %mul3A_121 = arith.constant 128 : i32
        %mul3A_122 = arith.muli %add3A_120, %mul3A_121 : i32
        %dma_start3A_123 = tpu.memref_slice %arg7[%mul3A_122] : memref<10000xi32, #tpu.memory_space<vmem>> -> memref<128xi32, #tpu.memory_space<vmem>>
        %dma_start3A_124 = arith.constant 0 : i32
        %dma_start3A_125 = arith.constant 0 : i32
        %dma_start3A_126 = tpu.memref_slice %arg2[%dma_start3A_124, %dma_start3A_125] : memref<10240x64xf32, #tpu.memory_space<hbm>> -> memref<10240x64xf32, #tpu.memory_space<hbm>>
        tpu.enqueue_indirect_dma source(%dma_start3A_126 : memref<10240x64xf32, #tpu.memory_space<hbm>>) target(%arg10 : memref<128x64xf32, #tpu.memory_space<vmem>>) offsets(%dma_start3A_123 : memref<128xi32, #tpu.memory_space<vmem>>) semaphore(%arg15 : memref<!tpu.dma_semaphore, #tpu.memory_space<semaphore_mem>>)
      } else {
      }
    }
    %scan3A_18 = arith.constant 26 : i32
    %dma_wait3A = arith.constant 9856 : i32
    %dma_wait3A_19 = tpu.memref_slice %arg8[%dma_wait3A] : memref<10000xi32, #tpu.memory_space<vmem>> -> memref<128xi32, #tpu.memory_space<vmem>>
    %dma_wait3A_20 = arith.constant 0 : i32
    %dma_wait3A_21 = arith.constant 0 : i32
    %dma_wait3A_22 = tpu.memref_slice %arg13[%dma_wait3A_20, %dma_wait3A_21] : memref<10240x64xf32, #tpu.memory_space<vmem_shared>> -> memref<10240x64xf32, #tpu.memory_space<vmem_shared>>
    tpu.wait_indirect_dma semaphore(%arg19 : memref<!tpu.dma_semaphore, #tpu.memory_space<semaphore_mem>>) src(%arg11 : memref<128x64xf32, #tpu.memory_space<vmem>>) dst(%dma_wait3A_22 : memref<10240x64xf32, #tpu.memory_space<vmem_shared>>)
    %dma_start3A_23 = arith.constant 9984 : i32
    %dma_start3A_24 = tpu.memref_slice %arg7[%dma_start3A_23] : memref<10000xi32, #tpu.memory_space<vmem>> -> memref<16xi32, #tpu.memory_space<vmem>>
    %dma_start3A_25 = arith.constant 0 : i32
    %dma_start3A_26 = arith.constant 0 : i32
    %dma_start3A_27 = tpu.memref_slice %arg2[%dma_start3A_25, %dma_start3A_26] : memref<10240x64xf32, #tpu.memory_space<hbm>> -> memref<10240x64xf32, #tpu.memory_space<hbm>>
    tpu.enqueue_indirect_dma source(%dma_start3A_27 : memref<10240x64xf32, #tpu.memory_space<hbm>>) target(%arg12 : memref<16x64xf32, #tpu.memory_space<vmem>>) offsets(%dma_start3A_24 : memref<16xi32, #tpu.memory_space<vmem>>) semaphore(%arg14 : memref<!tpu.dma_semaphore, #tpu.memory_space<semaphore_mem>>)
    %dma_wait3A_28 = arith.constant 9984 : i32
    %dma_wait3A_29 = tpu.memref_slice %arg7[%dma_wait3A_28] : memref<10000xi32, #tpu.memory_space<vmem>> -> memref<16xi32, #tpu.memory_space<vmem>>
    %dma_wait3A_30 = arith.constant 0 : i32
    %dma_wait3A_31 = arith.constant 0 : i32
    %dma_wait3A_32 = tpu.memref_slice %arg2[%dma_wait3A_30, %dma_wait3A_31] : memref<10240x64xf32, #tpu.memory_space<hbm>> -> memref<10240x64xf32, #tpu.memory_space<hbm>>
    tpu.wait_indirect_dma semaphore(%arg14 : memref<!tpu.dma_semaphore, #tpu.memory_space<semaphore_mem>>) src(%dma_wait3A_32 : memref<10240x64xf32, #tpu.memory_space<hbm>>) dst(%arg12 : memref<16x64xf32, #tpu.memory_space<vmem>>)
    "tpu.region"() ({
      %run_scoped3A = tpu.sem_alloc : memref<!tpu.dma_semaphore, #tpu.memory_space<semaphore_mem>>
      %dma_start3A_38 = arith.constant 9984 : i32
      %dma_start3A_39 = tpu.memref_slice %arg8[%dma_start3A_38] : memref<10000xi32, #tpu.memory_space<vmem>> -> memref<16xi32, #tpu.memory_space<vmem>>
      %dma_start3A_40 = arith.constant 0 : i32
      %dma_start3A_41 = arith.constant 0 : i32
      %dma_start3A_42 = tpu.memref_slice %arg13[%dma_start3A_40, %dma_start3A_41] : memref<10240x64xf32, #tpu.memory_space<vmem_shared>> -> memref<10240x64xf32, #tpu.memory_space<vmem_shared>>
      tpu.enqueue_indirect_dma source(%arg12 : memref<16x64xf32, #tpu.memory_space<vmem>>) target(%dma_start3A_42 : memref<10240x64xf32, #tpu.memory_space<vmem_shared>>) offsets(%dma_start3A_39 : memref<16xi32, #tpu.memory_space<vmem>>) semaphore(%run_scoped3A : memref<!tpu.dma_semaphore, #tpu.memory_space<semaphore_mem>>) {add = true}
      %dma_wait3A_43 = arith.constant 9984 : i32
      %dma_wait3A_44 = tpu.memref_slice %arg8[%dma_wait3A_43] : memref<10000xi32, #tpu.memory_space<vmem>> -> memref<16xi32, #tpu.memory_space<vmem>>
      %dma_wait3A_45 = arith.constant 0 : i32
      %dma_wait3A_46 = arith.constant 0 : i32
      %dma_wait3A_47 = tpu.memref_slice %arg13[%dma_wait3A_45, %dma_wait3A_46] : memref<10240x64xf32, #tpu.memory_space<vmem_shared>> -> memref<10240x64xf32, #tpu.memory_space<vmem_shared>>
      tpu.wait_indirect_dma semaphore(%run_scoped3A : memref<!tpu.dma_semaphore, #tpu.memory_space<semaphore_mem>>) src(%arg12 : memref<16x64xf32, #tpu.memory_space<vmem>>) dst(%dma_wait3A_47 : memref<10240x64xf32, #tpu.memory_space<vmem_shared>>)
      tpu.yield
    }) : () -> ()
    %barrier3A_33 = arith.constant 0 : index
    tpu.barrier barrier_id(%barrier3A_33)
    %mul3A_34 = arith.constant 640 : i32
    %mul3A_35 = arith.muli %arg1, %mul3A_34 : i32
    %mul3A_36 = arith.constant 640 : i32
    %mul3A_37 = arith.muli %arg1, %mul3A_36 : i32
    "tpu.region"() ({
      %run_scoped3A = tpu.sem_alloc : memref<!tpu.dma_semaphore, #tpu.memory_space<semaphore_mem>>
      %dma_start3A_38 = arith.constant 0 : i32
      %dma_start3A_39 = tpu.memref_slice %arg6[%arg0, %mul3A_37, %dma_start3A_38] : memref<2x10240x64xf32, #tpu.memory_space<hbm>> -> memref<1x640x64xf32, #tpu.memory_space<hbm>>
      %dma_start3A_40 = tpu.memref_squeeze %dma_start3A_39 : memref<1x640x64xf32, #tpu.memory_space<hbm>> -> memref<640x64xf32, #tpu.memory_space<hbm>>
      %dma_start3A_41 = arith.constant 0 : i32
      %dma_start3A_42 = tpu.memref_slice %arg13[%mul3A_35, %dma_start3A_41] : memref<10240x64xf32, #tpu.memory_space<vmem_shared>> -> memref<640x64xf32, #tpu.memory_space<vmem_shared>>
      tpu.enqueue_dma source(%dma_start3A_42 : memref<640x64xf32, #tpu.memory_space<vmem_shared>>) target(%dma_start3A_40 : memref<640x64xf32, #tpu.memory_space<hbm>>) target_semaphore(%run_scoped3A : memref<!tpu.dma_semaphore, #tpu.memory_space<semaphore_mem>>)
      %dma_wait3A_43 = arith.constant 0 : i32
      %dma_wait3A_44 = tpu.memref_slice %arg6[%arg0, %mul3A_37, %dma_wait3A_43] : memref<2x10240x64xf32, #tpu.memory_space<hbm>> -> memref<1x640x64xf32, #tpu.memory_space<hbm>>
      %dma_wait3A_45 = tpu.memref_squeeze %dma_wait3A_44 : memref<1x640x64xf32, #tpu.memory_space<hbm>> -> memref<640x64xf32, #tpu.memory_space<hbm>>
      %dma_wait3A_46 = arith.constant 0 : i32
      %dma_wait3A_47 = tpu.memref_slice %arg13[%mul3A_35, %dma_wait3A_46] : memref<10240x64xf32, #tpu.memory_space<vmem_shared>> -> memref<640x64xf32, #tpu.memory_space<vmem_shared>>
      tpu.wait_dma2 semaphore(%run_scoped3A : memref<!tpu.dma_semaphore, #tpu.memory_space<semaphore_mem>>) src(%dma_wait3A_47 : memref<640x64xf32, #tpu.memory_space<vmem_shared>>) dst(%dma_wait3A_45 : memref<640x64xf32, #tpu.memory_space<hbm>>)
      tpu.yield
    }) : () -> ()
    return
  }
}

#map = affine_map<(d0, d1) -> (0, 0)>
#map1 = affine_map<(d0, d1) -> (0)>
#map2 = affine_map<(d0, d1) -> (0, 0, 0)>
module attributes {stable_mosaic.version = 14 : i64} {
  func.func @body(%arg0: i32, %arg1: i32, %arg2: memref<10240x64xf32, #tpu.memory_space<hbm>>, %arg3: memref<320000xi32, #tpu.memory_space<hbm>>, %arg4: memref<320000xi32, #tpu.memory_space<hbm>>, %arg5: memref<640x64xf32, #tpu.memory_space<hbm>>, %arg6: memref<2x10240x64xf32, #tpu.memory_space<hbm>>, %arg7: memref<10000xi32, #tpu.memory_space<vmem>>, %arg8: memref<10000xi32, #tpu.memory_space<vmem>>, %arg9: memref<128x64xf32, #tpu.memory_space<vmem>>, %arg10: memref<128x64xf32, #tpu.memory_space<vmem>>, %arg11: memref<128x64xf32, #tpu.memory_space<vmem>>, %arg12: memref<16x64xf32, #tpu.memory_space<vmem>>, %arg13: memref<10240x64xf32, #tpu.memory_space<vmem_shared>>, %arg14: memref<!tpu.dma_semaphore, #tpu.memory_space<semaphore_mem>>, %arg15: memref<!tpu.dma_semaphore, #tpu.memory_space<semaphore_mem>>, %arg16: memref<!tpu.dma_semaphore, #tpu.memory_space<semaphore_mem>>, %arg17: memref<!tpu.dma_semaphore, #tpu.memory_space<semaphore_mem>>, %arg18: memref<!tpu.dma_semaphore, #tpu.memory_space<semaphore_mem>>, %arg19: memref<!tpu.dma_semaphore, #tpu.memory_space<semaphore_mem>>) attributes {dimension_semantics = [#tpu.dimension_semantics<core_parallel>, #tpu.dimension_semantics<subcore_parallel>], iteration_bounds = array<i64: 2, 16>, scalar_prefetch = 0 : i64, scratch_operands = 13 : i64, tpu.core_type = #tpu.core_type<sc_vector_subcore>, window_params = [{transform_indices = #map}, {transform_indices = #map1}, {transform_indices = #map1}, {transform_indices = #map}, {transform_indices = #map2}]} {
    %mul3A = arith.constant 2 : i32
    %mul3A_0 = arith.muli %arg1, %mul3A : i32
    %add3A = arith.addi %mul3A_0, %arg0 : i32
    %mul3A_1 = arith.constant 640 : i32
    %mul3A_2 = arith.muli %arg1, %mul3A_1 : i32
    "tpu.region"() ({
      %run_scoped3A = tpu.sem_alloc : memref<!tpu.dma_semaphore, #tpu.memory_space<semaphore_mem>>
      %dma_start3A_38 = arith.constant 0 : i32
      %dma_start3A_39 = tpu.memref_slice %arg13[%mul3A_2, %dma_start3A_38] : memref<10240x64xf32, #tpu.memory_space<vmem_shared>> -> memref<640x64xf32, #tpu.memory_space<vmem_shared>>
      tpu.enqueue_dma source(%arg5 : memref<640x64xf32, #tpu.memory_space<hbm>>) target(%dma_start3A_39 : memref<640x64xf32, #tpu.memory_space<vmem_shared>>) target_semaphore(%run_scoped3A : memref<!tpu.dma_semaphore, #tpu.memory_space<semaphore_mem>>)
      %dma_wait3A_40 = arith.constant 0 : i32
      %dma_wait3A_41 = tpu.memref_slice %arg13[%mul3A_2, %dma_wait3A_40] : memref<10240x64xf32, #tpu.memory_space<vmem_shared>> -> memref<640x64xf32, #tpu.memory_space<vmem_shared>>
      tpu.wait_dma2 semaphore(%run_scoped3A : memref<!tpu.dma_semaphore, #tpu.memory_space<semaphore_mem>>) src(%arg5 : memref<640x64xf32, #tpu.memory_space<hbm>>) dst(%dma_wait3A_41 : memref<640x64xf32, #tpu.memory_space<vmem_shared>>)
      tpu.yield
    }) : () -> ()
    %barrier3A = arith.constant 0 : index
    tpu.barrier barrier_id(%barrier3A)
    %mul3A_3 = arith.constant 10000 : i32
    %mul3A_4 = arith.muli %add3A, %mul3A_3 : i32
    "tpu.region"() ({
      %run_scoped3A = tpu.sem_alloc : memref<!tpu.dma_semaphore, #tpu.memory_space<semaphore_mem>>
      %dma_start3A_38 = tpu.memref_slice %arg3[%mul3A_4] : memref<320000xi32, #tpu.memory_space<hbm>> -> memref<10000xi32, #tpu.memory_space<hbm>>
      %dma_start3A_39 = tpu.memref_slice %arg3[%mul3A_4] : memref<320000xi32, #tpu.memory_space<hbm>> -> memref<10000xi32, #tpu.memory_space<hbm>>
      tpu.enqueue_dma source(%dma_start3A_39 : memref<10000xi32, #tpu.memory_space<hbm>>) target(%arg7 : memref<10000xi32, #tpu.memory_space<vmem>>) target_semaphore(%run_scoped3A : memref<!tpu.dma_semaphore, #tpu.memory_space<semaphore_mem>>)
      %dma_wait3A_40 = tpu.memref_slice %arg3[%mul3A_4] : memref<320000xi32, #tpu.memory_space<hbm>> -> memref<10000xi32, #tpu.memory_space<hbm>>
      %dma_wait3A_41 = tpu.memref_slice %arg3[%mul3A_4] : memref<320000xi32, #tpu.memory_space<hbm>> -> memref<10000xi32, #tpu.memory_space<hbm>>
      tpu.wait_dma2 semaphore(%run_scoped3A : memref<!tpu.dma_semaphore, #tpu.memory_space<semaphore_mem>>) src(%dma_wait3A_41 : memref<10000xi32, #tpu.memory_space<hbm>>) dst(%arg7 : memref<10000xi32, #tpu.memory_space<vmem>>)
      tpu.yield
    }) : () -> ()
    "tpu.region"() ({
      %run_scoped3A = tpu.sem_alloc : memref<!tpu.dma_semaphore, #tpu.memory_space<semaphore_mem>>
      %dma_start3A_38 = tpu.memref_slice %arg4[%mul3A_4] : memref<320000xi32, #tpu.memory_space<hbm>> -> memref<10000xi32, #tpu.memory_space<hbm>>
      %dma_start3A_39 = tpu.memref_slice %arg4[%mul3A_4] : memref<320000xi32, #tpu.memory_space<hbm>> -> memref<10000xi32, #tpu.memory_space<hbm>>
      tpu.enqueue_dma source(%dma_start3A_39 : memref<10000xi32, #tpu.memory_space<hbm>>) target(%arg8 : memref<10000xi32, #tpu.memory_space<vmem>>) target_semaphore(%run_scoped3A : memref<!tpu.dma_semaphore, #tpu.memory_space<semaphore_mem>>)
      %dma_wait3A_40 = tpu.memref_slice %arg4[%mul3A_4] : memref<320000xi32, #tpu.memory_space<hbm>> -> memref<10000xi32, #tpu.memory_space<hbm>>
      %dma_wait3A_41 = tpu.memref_slice %arg4[%mul3A_4] : memref<320000xi32, #tpu.memory_space<hbm>> -> memref<10000xi32, #tpu.memory_space<hbm>>
      tpu.wait_dma2 semaphore(%run_scoped3A : memref<!tpu.dma_semaphore, #tpu.memory_space<semaphore_mem>>) src(%dma_wait3A_41 : memref<10000xi32, #tpu.memory_space<hbm>>) dst(%arg8 : memref<10000xi32, #tpu.memory_space<vmem>>)
      tpu.yield
    }) : () -> ()
    %dma_start3A = arith.constant 0 : i32
    %dma_start3A_5 = tpu.memref_slice %arg7[%dma_start3A] : memref<10000xi32, #tpu.memory_space<vmem>> -> memref<128xi32, #tpu.memory_space<vmem>>
    %dma_start3A_6 = arith.constant 0 : i32
    %dma_start3A_7 = arith.constant 0 : i32
    %dma_start3A_8 = tpu.memref_slice %arg2[%dma_start3A_6, %dma_start3A_7] : memref<10240x64xf32, #tpu.memory_space<hbm>> -> memref<10240x64xf32, #tpu.memory_space<hbm>>
    tpu.enqueue_indirect_dma source(%dma_start3A_8 : memref<10240x64xf32, #tpu.memory_space<hbm>>) target(%arg9 : memref<128x64xf32, #tpu.memory_space<vmem>>) offsets(%dma_start3A_5 : memref<128xi32, #tpu.memory_space<vmem>>) semaphore(%arg14 : memref<!tpu.dma_semaphore, #tpu.memory_space<semaphore_mem>>)
    %dma_start3A_9 = arith.constant 128 : i32
    %dma_start3A_10 = tpu.memref_slice %arg7[%dma_start3A_9] : memref<10000xi32, #tpu.memory_space<vmem>> -> memref<128xi32, #tpu.memory_space<vmem>>
    %dma_start3A_11 = arith.constant 0 : i32
    %dma_start3A_12 = arith.constant 0 : i32
    %dma_start3A_13 = tpu.memref_slice %arg2[%dma_start3A_11, %dma_start3A_12] : memref<10240x64xf32, #tpu.memory_space<hbm>> -> memref<10240x64xf32, #tpu.memory_space<hbm>>
    tpu.enqueue_indirect_dma source(%dma_start3A_13 : memref<10240x64xf32, #tpu.memory_space<hbm>>) target(%arg10 : memref<128x64xf32, #tpu.memory_space<vmem>>) offsets(%dma_start3A_10 : memref<128xi32, #tpu.memory_space<vmem>>) semaphore(%arg15 : memref<!tpu.dma_semaphore, #tpu.memory_space<semaphore_mem>>)
    %scan3A = arith.constant 0 : i32
    %scan3A_14 = arith.constant 0 : i32
    %scan3A_15 = arith.constant 26 : i32
    %scan3A_16 = arith.addi %scan3A_14, %scan3A_15 : i32
    %scan3A_17 = arith.constant 1 : i32
    scf.for %scan3A_38 = %scan3A_14 to %scan3A_16 step %scan3A_17  : i32 {
      %mul3A_39 = arith.constant 3 : i32
      %mul3A_40 = arith.muli %scan3A_38, %mul3A_39 : i32
      %add3A_41 = arith.constant 0 : i32
      %add3A_42 = arith.addi %mul3A_40, %add3A_41 : i32
      %mul3A_43 = arith.constant 128 : i32
      %mul3A_44 = arith.muli %add3A_42, %mul3A_43 : i32
      %dma_wait3A_45 = tpu.memref_slice %arg7[%mul3A_44] : memref<10000xi32, #tpu.memory_space<vmem>> -> memref<128xi32, #tpu.memory_space<vmem>>
      %dma_wait3A_46 = arith.constant 0 : i32
      %dma_wait3A_47 = arith.constant 0 : i32
      %dma_wait3A_48 = tpu.memref_slice %arg2[%dma_wait3A_46, %dma_wait3A_47] : memref<10240x64xf32, #tpu.memory_space<hbm>> -> memref<10240x64xf32, #tpu.memory_space<hbm>>
      tpu.wait_indirect_dma semaphore(%arg14 : memref<!tpu.dma_semaphore, #tpu.memory_space<semaphore_mem>>) src(%dma_wait3A_48 : memref<10240x64xf32, #tpu.memory_space<hbm>>) dst(%arg9 : memref<128x64xf32, #tpu.memory_space<vmem>>)
      %mul3A_49 = arith.constant 128 : i32
      %mul3A_50 = arith.muli %add3A_42, %mul3A_49 : i32
      %dma_start3A_51 = tpu.memref_slice %arg8[%mul3A_50] : memref<10000xi32, #tpu.memory_space<vmem>> -> memref<128xi32, #tpu.memory_space<vmem>>
      %dma_start3A_52 = arith.constant 0 : i32
      %dma_start3A_53 = arith.constant 0 : i32
      %dma_start3A_54 = tpu.memref_slice %arg13[%dma_start3A_52, %dma_start3A_53] : memref<10240x64xf32, #tpu.memory_space<vmem_shared>> -> memref<10240x64xf32, #tpu.memory_space<vmem_shared>>
      tpu.enqueue_indirect_dma source(%arg9 : memref<128x64xf32, #tpu.memory_space<vmem>>) target(%dma_start3A_54 : memref<10240x64xf32, #tpu.memory_space<vmem_shared>>) offsets(%dma_start3A_51 : memref<128xi32, #tpu.memory_space<vmem>>) semaphore(%arg17 : memref<!tpu.dma_semaphore, #tpu.memory_space<semaphore_mem>>) {add = true}
      %ge3A = arith.constant 1 : i32
      %ge3A_55 = arith.cmpi sge, %add3A_42, %ge3A : i32
      %convert_element_type3A = arith.extui %ge3A_55 : i1 to i32
      %cond3A = arith.constant 0 : i32
      %cond3A_56 = arith.cmpi ne, %convert_element_type3A, %cond3A : i32
      scf.if %cond3A_56 {
        %sub3A = arith.constant 1 : i32
        %sub3A_119 = arith.subi %add3A_42, %sub3A : i32
        %mul3A_120 = arith.constant 128 : i32
        %mul3A_121 = arith.muli %sub3A_119, %mul3A_120 : i32
        %dma_wait3A_122 = tpu.memref_slice %arg8[%mul3A_121] : memref<10000xi32, #tpu.memory_space<vmem>> -> memref<128xi32, #tpu.memory_space<vmem>>
        %dma_wait3A_123 = arith.constant 0 : i32
        %dma_wait3A_124 = arith.constant 0 : i32
        %dma_wait3A_125 = tpu.memref_slice %arg13[%dma_wait3A_123, %dma_wait3A_124] : memref<10240x64xf32, #tpu.memory_space<vmem_shared>> -> memref<10240x64xf32, #tpu.memory_space<vmem_shared>>
        tpu.wait_indirect_dma semaphore(%arg19 : memref<!tpu.dma_semaphore, #tpu.memory_space<semaphore_mem>>) src(%arg11 : memref<128x64xf32, #tpu.memory_space<vmem>>) dst(%dma_wait3A_125 : memref<10240x64xf32, #tpu.memory_space<vmem_shared>>)
      } else {
      }
      %add3A_57 = arith.constant 2 : i32
      %add3A_58 = arith.addi %add3A_42, %add3A_57 : i32
      %lt3A = arith.constant 78 : i32
      %lt3A_59 = arith.cmpi slt, %add3A_58, %lt3A : i32
      %convert_element_type3A_60 = arith.extui %lt3A_59 : i1 to i32
      %cond3A_61 = arith.constant 0 : i32
      %cond3A_62 = arith.cmpi ne, %convert_element_type3A_60, %cond3A_61 : i32
      scf.if %cond3A_62 {
        %add3A_119 = arith.constant 2 : i32
        %add3A_120 = arith.addi %add3A_42, %add3A_119 : i32
        %mul3A_121 = arith.constant 128 : i32
        %mul3A_122 = arith.muli %add3A_120, %mul3A_121 : i32
        %dma_start3A_123 = tpu.memref_slice %arg7[%mul3A_122] : memref<10000xi32, #tpu.memory_space<vmem>> -> memref<128xi32, #tpu.memory_space<vmem>>
        %dma_start3A_124 = arith.constant 0 : i32
        %dma_start3A_125 = arith.constant 0 : i32
        %dma_start3A_126 = tpu.memref_slice %arg2[%dma_start3A_124, %dma_start3A_125] : memref<10240x64xf32, #tpu.memory_space<hbm>> -> memref<10240x64xf32, #tpu.memory_space<hbm>>
        tpu.enqueue_indirect_dma source(%dma_start3A_126 : memref<10240x64xf32, #tpu.memory_space<hbm>>) target(%arg11 : memref<128x64xf32, #tpu.memory_space<vmem>>) offsets(%dma_start3A_123 : memref<128xi32, #tpu.memory_space<vmem>>) semaphore(%arg16 : memref<!tpu.dma_semaphore, #tpu.memory_space<semaphore_mem>>)
      } else {
      }
      %mul3A_63 = arith.constant 3 : i32
      %mul3A_64 = arith.muli %scan3A_38, %mul3A_63 : i32
      %add3A_65 = arith.constant 1 : i32
      %add3A_66 = arith.addi %mul3A_64, %add3A_65 : i32
      %mul3A_67 = arith.constant 128 : i32
      %mul3A_68 = arith.muli %add3A_66, %mul3A_67 : i32
      %dma_wait3A_69 = tpu.memref_slice %arg7[%mul3A_68] : memref<10000xi32, #tpu.memory_space<vmem>> -> memref<128xi32, #tpu.memory_space<vmem>>
      %dma_wait3A_70 = arith.constant 0 : i32
      %dma_wait3A_71 = arith.constant 0 : i32
      %dma_wait3A_72 = tpu.memref_slice %arg2[%dma_wait3A_70, %dma_wait3A_71] : memref<10240x64xf32, #tpu.memory_space<hbm>> -> memref<10240x64xf32, #tpu.memory_space<hbm>>
      tpu.wait_indirect_dma semaphore(%arg15 : memref<!tpu.dma_semaphore, #tpu.memory_space<semaphore_mem>>) src(%dma_wait3A_72 : memref<10240x64xf32, #tpu.memory_space<hbm>>) dst(%arg10 : memref<128x64xf32, #tpu.memory_space<vmem>>)
      %mul3A_73 = arith.constant 128 : i32
      %mul3A_74 = arith.muli %add3A_66, %mul3A_73 : i32
      %dma_start3A_75 = tpu.memref_slice %arg8[%mul3A_74] : memref<10000xi32, #tpu.memory_space<vmem>> -> memref<128xi32, #tpu.memory_space<vmem>>
      %dma_start3A_76 = arith.constant 0 : i32
      %dma_start3A_77 = arith.constant 0 : i32
      %dma_start3A_78 = tpu.memref_slice %arg13[%dma_start3A_76, %dma_start3A_77] : memref<10240x64xf32, #tpu.memory_space<vmem_shared>> -> memref<10240x64xf32, #tpu.memory_space<vmem_shared>>
      tpu.enqueue_indirect_dma source(%arg10 : memref<128x64xf32, #tpu.memory_space<vmem>>) target(%dma_start3A_78 : memref<10240x64xf32, #tpu.memory_space<vmem_shared>>) offsets(%dma_start3A_75 : memref<128xi32, #tpu.memory_space<vmem>>) semaphore(%arg18 : memref<!tpu.dma_semaphore, #tpu.memory_space<semaphore_mem>>) {add = true}
      %ge3A_79 = arith.constant 1 : i32
      %ge3A_80 = arith.cmpi sge, %add3A_66, %ge3A_79 : i32
      %convert_element_type3A_81 = arith.extui %ge3A_80 : i1 to i32
      %cond3A_82 = arith.constant 0 : i32
      %cond3A_83 = arith.cmpi ne, %convert_element_type3A_81, %cond3A_82 : i32
      scf.if %cond3A_83 {
        %sub3A = arith.constant 1 : i32
        %sub3A_119 = arith.subi %add3A_66, %sub3A : i32
        %mul3A_120 = arith.constant 128 : i32
        %mul3A_121 = arith.muli %sub3A_119, %mul3A_120 : i32
        %dma_wait3A_122 = tpu.memref_slice %arg8[%mul3A_121] : memref<10000xi32, #tpu.memory_space<vmem>> -> memref<128xi32, #tpu.memory_space<vmem>>
        %dma_wait3A_123 = arith.constant 0 : i32
        %dma_wait3A_124 = arith.constant 0 : i32
        %dma_wait3A_125 = tpu.memref_slice %arg13[%dma_wait3A_123, %dma_wait3A_124] : memref<10240x64xf32, #tpu.memory_space<vmem_shared>> -> memref<10240x64xf32, #tpu.memory_space<vmem_shared>>
        tpu.wait_indirect_dma semaphore(%arg17 : memref<!tpu.dma_semaphore, #tpu.memory_space<semaphore_mem>>) src(%arg9 : memref<128x64xf32, #tpu.memory_space<vmem>>) dst(%dma_wait3A_125 : memref<10240x64xf32, #tpu.memory_space<vmem_shared>>)
      } else {
      }
      %add3A_84 = arith.constant 2 : i32
      %add3A_85 = arith.addi %add3A_66, %add3A_84 : i32
      %lt3A_86 = arith.constant 78 : i32
      %lt3A_87 = arith.cmpi slt, %add3A_85, %lt3A_86 : i32
      %convert_element_type3A_88 = arith.extui %lt3A_87 : i1 to i32
      %cond3A_89 = arith.constant 0 : i32
      %cond3A_90 = arith.cmpi ne, %convert_element_type3A_88, %cond3A_89 : i32
      scf.if %cond3A_90 {
        %add3A_119 = arith.constant 2 : i32
        %add3A_120 = arith.addi %add3A_66, %add3A_119 : i32
        %mul3A_121 = arith.constant 128 : i32
        %mul3A_122 = arith.muli %add3A_120, %mul3A_121 : i32
        %dma_start3A_123 = tpu.memref_slice %arg7[%mul3A_122] : memref<10000xi32, #tpu.memory_space<vmem>> -> memref<128xi32, #tpu.memory_space<vmem>>
        %dma_start3A_124 = arith.constant 0 : i32
        %dma_start3A_125 = arith.constant 0 : i32
        %dma_start3A_126 = tpu.memref_slice %arg2[%dma_start3A_124, %dma_start3A_125] : memref<10240x64xf32, #tpu.memory_space<hbm>> -> memref<10240x64xf32, #tpu.memory_space<hbm>>
        tpu.enqueue_indirect_dma source(%dma_start3A_126 : memref<10240x64xf32, #tpu.memory_space<hbm>>) target(%arg9 : memref<128x64xf32, #tpu.memory_space<vmem>>) offsets(%dma_start3A_123 : memref<128xi32, #tpu.memory_space<vmem>>) semaphore(%arg14 : memref<!tpu.dma_semaphore, #tpu.memory_space<semaphore_mem>>)
      } else {
      }
      %mul3A_91 = arith.constant 3 : i32
      %mul3A_92 = arith.muli %scan3A_38, %mul3A_91 : i32
      %add3A_93 = arith.constant 2 : i32
      %add3A_94 = arith.addi %mul3A_92, %add3A_93 : i32
      %mul3A_95 = arith.constant 128 : i32
      %mul3A_96 = arith.muli %add3A_94, %mul3A_95 : i32
      %dma_wait3A_97 = tpu.memref_slice %arg7[%mul3A_96] : memref<10000xi32, #tpu.memory_space<vmem>> -> memref<128xi32, #tpu.memory_space<vmem>>
      %dma_wait3A_98 = arith.constant 0 : i32
      %dma_wait3A_99 = arith.constant 0 : i32
      %dma_wait3A_100 = tpu.memref_slice %arg2[%dma_wait3A_98, %dma_wait3A_99] : memref<10240x64xf32, #tpu.memory_space<hbm>> -> memref<10240x64xf32, #tpu.memory_space<hbm>>
      tpu.wait_indirect_dma semaphore(%arg16 : memref<!tpu.dma_semaphore, #tpu.memory_space<semaphore_mem>>) src(%dma_wait3A_100 : memref<10240x64xf32, #tpu.memory_space<hbm>>) dst(%arg11 : memref<128x64xf32, #tpu.memory_space<vmem>>)
      %mul3A_101 = arith.constant 128 : i32
      %mul3A_102 = arith.muli %add3A_94, %mul3A_101 : i32
      %dma_start3A_103 = tpu.memref_slice %arg8[%mul3A_102] : memref<10000xi32, #tpu.memory_space<vmem>> -> memref<128xi32, #tpu.memory_space<vmem>>
      %dma_start3A_104 = arith.constant 0 : i32
      %dma_start3A_105 = arith.constant 0 : i32
      %dma_start3A_106 = tpu.memref_slice %arg13[%dma_start3A_104, %dma_start3A_105] : memref<10240x64xf32, #tpu.memory_space<vmem_shared>> -> memref<10240x64xf32, #tpu.memory_space<vmem_shared>>
      tpu.enqueue_indirect_dma source(%arg11 : memref<128x64xf32, #tpu.memory_space<vmem>>) target(%dma_start3A_106 : memref<10240x64xf32, #tpu.memory_space<vmem_shared>>) offsets(%dma_start3A_103 : memref<128xi32, #tpu.memory_space<vmem>>) semaphore(%arg19 : memref<!tpu.dma_semaphore, #tpu.memory_space<semaphore_mem>>) {add = true}
      %ge3A_107 = arith.constant 1 : i32
      %ge3A_108 = arith.cmpi sge, %add3A_94, %ge3A_107 : i32
      %convert_element_type3A_109 = arith.extui %ge3A_108 : i1 to i32
      %cond3A_110 = arith.constant 0 : i32
      %cond3A_111 = arith.cmpi ne, %convert_element_type3A_109, %cond3A_110 : i32
      scf.if %cond3A_111 {
        %sub3A = arith.constant 1 : i32
        %sub3A_119 = arith.subi %add3A_94, %sub3A : i32
        %mul3A_120 = arith.constant 128 : i32
        %mul3A_121 = arith.muli %sub3A_119, %mul3A_120 : i32
        %dma_wait3A_122 = tpu.memref_slice %arg8[%mul3A_121] : memref<10000xi32, #tpu.memory_space<vmem>> -> memref<128xi32, #tpu.memory_space<vmem>>
        %dma_wait3A_123 = arith.constant 0 : i32
        %dma_wait3A_124 = arith.constant 0 : i32
        %dma_wait3A_125 = tpu.memref_slice %arg13[%dma_wait3A_123, %dma_wait3A_124] : memref<10240x64xf32, #tpu.memory_space<vmem_shared>> -> memref<10240x64xf32, #tpu.memory_space<vmem_shared>>
        tpu.wait_indirect_dma semaphore(%arg18 : memref<!tpu.dma_semaphore, #tpu.memory_space<semaphore_mem>>) src(%arg10 : memref<128x64xf32, #tpu.memory_space<vmem>>) dst(%dma_wait3A_125 : memref<10240x64xf32, #tpu.memory_space<vmem_shared>>)
      } else {
      }
      %add3A_112 = arith.constant 2 : i32
      %add3A_113 = arith.addi %add3A_94, %add3A_112 : i32
      %lt3A_114 = arith.constant 78 : i32
      %lt3A_115 = arith.cmpi slt, %add3A_113, %lt3A_114 : i32
      %convert_element_type3A_116 = arith.extui %lt3A_115 : i1 to i32
      %cond3A_117 = arith.constant 0 : i32
      %cond3A_118 = arith.cmpi ne, %convert_element_type3A_116, %cond3A_117 : i32
      scf.if %cond3A_118 {
        %add3A_119 = arith.constant 2 : i32
        %add3A_120 = arith.addi %add3A_94, %add3A_119 : i32
        %mul3A_121 = arith.constant 128 : i32
        %mul3A_122 = arith.muli %add3A_120, %mul3A_121 : i32
        %dma_start3A_123 = tpu.memref_slice %arg7[%mul3A_122] : memref<10000xi32, #tpu.memory_space<vmem>> -> memref<128xi32, #tpu.memory_space<vmem>>
        %dma_start3A_124 = arith.constant 0 : i32
        %dma_start3A_125 = arith.constant 0 : i32
        %dma_start3A_126 = tpu.memref_slice %arg2[%dma_start3A_124, %dma_start3A_125] : memref<10240x64xf32, #tpu.memory_space<hbm>> -> memref<10240x64xf32, #tpu.memory_space<hbm>>
        tpu.enqueue_indirect_dma source(%dma_start3A_126 : memref<10240x64xf32, #tpu.memory_space<hbm>>) target(%arg10 : memref<128x64xf32, #tpu.memory_space<vmem>>) offsets(%dma_start3A_123 : memref<128xi32, #tpu.memory_space<vmem>>) semaphore(%arg15 : memref<!tpu.dma_semaphore, #tpu.memory_space<semaphore_mem>>)
      } else {
      }
    }
    %scan3A_18 = arith.constant 26 : i32
    %dma_wait3A = arith.constant 9856 : i32
    %dma_wait3A_19 = tpu.memref_slice %arg8[%dma_wait3A] : memref<10000xi32, #tpu.memory_space<vmem>> -> memref<128xi32, #tpu.memory_space<vmem>>
    %dma_wait3A_20 = arith.constant 0 : i32
    %dma_wait3A_21 = arith.constant 0 : i32
    %dma_wait3A_22 = tpu.memref_slice %arg13[%dma_wait3A_20, %dma_wait3A_21] : memref<10240x64xf32, #tpu.memory_space<vmem_shared>> -> memref<10240x64xf32, #tpu.memory_space<vmem_shared>>
    tpu.wait_indirect_dma semaphore(%arg19 : memref<!tpu.dma_semaphore, #tpu.memory_space<semaphore_mem>>) src(%arg11 : memref<128x64xf32, #tpu.memory_space<vmem>>) dst(%dma_wait3A_22 : memref<10240x64xf32, #tpu.memory_space<vmem_shared>>)
    %dma_start3A_23 = arith.constant 9984 : i32
    %dma_start3A_24 = tpu.memref_slice %arg7[%dma_start3A_23] : memref<10000xi32, #tpu.memory_space<vmem>> -> memref<16xi32, #tpu.memory_space<vmem>>
    %dma_start3A_25 = arith.constant 0 : i32
    %dma_start3A_26 = arith.constant 0 : i32
    %dma_start3A_27 = tpu.memref_slice %arg2[%dma_start3A_25, %dma_start3A_26] : memref<10240x64xf32, #tpu.memory_space<hbm>> -> memref<10240x64xf32, #tpu.memory_space<hbm>>
    tpu.enqueue_indirect_dma source(%dma_start3A_27 : memref<10240x64xf32, #tpu.memory_space<hbm>>) target(%arg12 : memref<16x64xf32, #tpu.memory_space<vmem>>) offsets(%dma_start3A_24 : memref<16xi32, #tpu.memory_space<vmem>>) semaphore(%arg14 : memref<!tpu.dma_semaphore, #tpu.memory_space<semaphore_mem>>)
    %dma_wait3A_28 = arith.constant 9984 : i32
    %dma_wait3A_29 = tpu.memref_slice %arg7[%dma_wait3A_28] : memref<10000xi32, #tpu.memory_space<vmem>> -> memref<16xi32, #tpu.memory_space<vmem>>
    %dma_wait3A_30 = arith.constant 0 : i32
    %dma_wait3A_31 = arith.constant 0 : i32
    %dma_wait3A_32 = tpu.memref_slice %arg2[%dma_wait3A_30, %dma_wait3A_31] : memref<10240x64xf32, #tpu.memory_space<hbm>> -> memref<10240x64xf32, #tpu.memory_space<hbm>>
    tpu.wait_indirect_dma semaphore(%arg14 : memref<!tpu.dma_semaphore, #tpu.memory_space<semaphore_mem>>) src(%dma_wait3A_32 : memref<10240x64xf32, #tpu.memory_space<hbm>>) dst(%arg12 : memref<16x64xf32, #tpu.memory_space<vmem>>)
    "tpu.region"() ({
      %run_scoped3A = tpu.sem_alloc : memref<!tpu.dma_semaphore, #tpu.memory_space<semaphore_mem>>
      %dma_start3A_38 = arith.constant 9984 : i32
      %dma_start3A_39 = tpu.memref_slice %arg8[%dma_start3A_38] : memref<10000xi32, #tpu.memory_space<vmem>> -> memref<16xi32, #tpu.memory_space<vmem>>
      %dma_start3A_40 = arith.constant 0 : i32
      %dma_start3A_41 = arith.constant 0 : i32
      %dma_start3A_42 = tpu.memref_slice %arg13[%dma_start3A_40, %dma_start3A_41] : memref<10240x64xf32, #tpu.memory_space<vmem_shared>> -> memref<10240x64xf32, #tpu.memory_space<vmem_shared>>
      tpu.enqueue_indirect_dma source(%arg12 : memref<16x64xf32, #tpu.memory_space<vmem>>) target(%dma_start3A_42 : memref<10240x64xf32, #tpu.memory_space<vmem_shared>>) offsets(%dma_start3A_39 : memref<16xi32, #tpu.memory_space<vmem>>) semaphore(%run_scoped3A : memref<!tpu.dma_semaphore, #tpu.memory_space<semaphore_mem>>) {add = true}
      %dma_wait3A_43 = arith.constant 9984 : i32
      %dma_wait3A_44 = tpu.memref_slice %arg8[%dma_wait3A_43] : memref<10000xi32, #tpu.memory_space<vmem>> -> memref<16xi32, #tpu.memory_space<vmem>>
      %dma_wait3A_45 = arith.constant 0 : i32
      %dma_wait3A_46 = arith.constant 0 : i32
      %dma_wait3A_47 = tpu.memref_slice %arg13[%dma_wait3A_45, %dma_wait3A_46] : memref<10240x64xf32, #tpu.memory_space<vmem_shared>> -> memref<10240x64xf32, #tpu.memory_space<vmem_shared>>
      tpu.wait_indirect_dma semaphore(%run_scoped3A : memref<!tpu.dma_semaphore, #tpu.memory_space<semaphore_mem>>) src(%arg12 : memref<16x64xf32, #tpu.memory_space<vmem>>) dst(%dma_wait3A_47 : memref<10240x64xf32, #tpu.memory_space<vmem_shared>>)
      tpu.yield
    }) : () -> ()
    %barrier3A_33 = arith.constant 0 : index
    tpu.barrier barrier_id(%barrier3A_33)
    %mul3A_34 = arith.constant 640 : i32
    %mul3A_35 = arith.muli %arg1, %mul3A_34 : i32
    %mul3A_36 = arith.constant 640 : i32
    %mul3A_37 = arith.muli %arg1, %mul3A_36 : i32
    "tpu.region"() ({
      %run_scoped3A = tpu.sem_alloc : memref<!tpu.dma_semaphore, #tpu.memory_space<semaphore_mem>>
      %dma_start3A_38 = arith.constant 0 : i32
      %dma_start3A_39 = tpu.memref_slice %arg6[%arg0, %mul3A_37, %dma_start3A_38] : memref<2x10240x64xf32, #tpu.memory_space<hbm>> -> memref<1x640x64xf32, #tpu.memory_space<hbm>>
      %dma_start3A_40 = tpu.memref_squeeze %dma_start3A_39 : memref<1x640x64xf32, #tpu.memory_space<hbm>> -> memref<640x64xf32, #tpu.memory_space<hbm>>
      %dma_start3A_41 = arith.constant 0 : i32
      %dma_start3A_42 = tpu.memref_slice %arg13[%mul3A_35, %dma_start3A_41] : memref<10240x64xf32, #tpu.memory_space<vmem_shared>> -> memref<640x64xf32, #tpu.memory_space<vmem_shared>>
      tpu.enqueue_dma source(%dma_start3A_42 : memref<640x64xf32, #tpu.memory_space<vmem_shared>>) target(%dma_start3A_40 : memref<640x64xf32, #tpu.memory_space<hbm>>) target_semaphore(%run_scoped3A : memref<!tpu.dma_semaphore, #tpu.memory_space<semaphore_mem>>)
      %dma_wait3A_43 = arith.constant 0 : i32
      %dma_wait3A_44 = tpu.memref_slice %arg6[%arg0, %mul3A_37, %dma_wait3A_43] : memref<2x10240x64xf32, #tpu.memory_space<hbm>> -> memref<1x640x64xf32, #tpu.memory_space<hbm>>
      %dma_wait3A_45 = tpu.memref_squeeze %dma_wait3A_44 : memref<1x640x64xf32, #tpu.memory_space<hbm>> -> memref<640x64xf32, #tpu.memory_space<hbm>>
      %dma_wait3A_46 = arith.constant 0 : i32
      %dma_wait3A_47 = tpu.memref_slice %arg13[%mul3A_35, %dma_wait3A_46] : memref<10240x64xf32, #tpu.memory_space<vmem_shared>> -> memref<640x64xf32, #tpu.memory_space<vmem_shared>>
      tpu.wait_dma2 semaphore(%run_scoped3A : memref<!tpu.dma_semaphore, #tpu.memory_space<semaphore_mem>>) src(%dma_wait3A_47 : memref<640x64xf32, #tpu.memory_space<vmem_shared>>) dst(%dma_wait3A_45 : memref<640x64xf32, #tpu.memory_space<hbm>>)
      tpu.yield
    }) : () -> ()
    return
  }
}

#map = affine_map<(d0, d1) -> (0)>
#map1 = affine_map<(d0, d1) -> (0, 0)>
module attributes {stable_mosaic.version = 14 : i64} {
  func.func @body(%arg0: i32, %arg1: i32, %arg2: memref<320000xi32, #tpu.memory_space<hbm>>, %arg3: memref<10240xf32, #tpu.memory_space<hbm>>, %arg4: memref<32x10240xf32, #tpu.memory_space<hbm>>, %arg5: memref<10000xi32, #tpu.memory_space<vmem>>, %arg6: memref<10240xf32, #tpu.memory_space<vmem>>) attributes {dimension_semantics = [#tpu.dimension_semantics<core_parallel>, #tpu.dimension_semantics<subcore_parallel>], iteration_bounds = array<i64: 2, 16>, scalar_prefetch = 0 : i64, scratch_operands = 2 : i64, tpu.core_type = #tpu.core_type<sc_vector_subcore>, window_params = [{transform_indices = #map}, {transform_indices = #map}, {transform_indices = #map1}]} {
    %mul3A = arith.constant 2 : i32
    %mul3A_0 = arith.muli %arg1, %mul3A : i32
    %add3A = arith.addi %mul3A_0, %arg0 : i32
    "tpu.region"() ({
      %run_scoped3A = tpu.sem_alloc : memref<!tpu.dma_semaphore, #tpu.memory_space<semaphore_mem>>
      tpu.enqueue_dma source(%arg3 : memref<10240xf32, #tpu.memory_space<hbm>>) target(%arg6 : memref<10240xf32, #tpu.memory_space<vmem>>) target_semaphore(%run_scoped3A : memref<!tpu.dma_semaphore, #tpu.memory_space<semaphore_mem>>)
      tpu.wait_dma2 semaphore(%run_scoped3A : memref<!tpu.dma_semaphore, #tpu.memory_space<semaphore_mem>>) src(%arg3 : memref<10240xf32, #tpu.memory_space<hbm>>) dst(%arg6 : memref<10240xf32, #tpu.memory_space<vmem>>)
      tpu.yield
    }) : () -> ()
    %mul3A_1 = arith.constant 10000 : i32
    %mul3A_2 = arith.muli %add3A, %mul3A_1 : i32
    "tpu.region"() ({
      %run_scoped3A = tpu.sem_alloc : memref<!tpu.dma_semaphore, #tpu.memory_space<semaphore_mem>>
      %dma_start3A = tpu.memref_slice %arg2[%mul3A_2] : memref<320000xi32, #tpu.memory_space<hbm>> -> memref<10000xi32, #tpu.memory_space<hbm>>
      %dma_start3A_9 = tpu.memref_slice %arg2[%mul3A_2] : memref<320000xi32, #tpu.memory_space<hbm>> -> memref<10000xi32, #tpu.memory_space<hbm>>
      tpu.enqueue_dma source(%dma_start3A_9 : memref<10000xi32, #tpu.memory_space<hbm>>) target(%arg5 : memref<10000xi32, #tpu.memory_space<vmem>>) target_semaphore(%run_scoped3A : memref<!tpu.dma_semaphore, #tpu.memory_space<semaphore_mem>>)
      %dma_wait3A = tpu.memref_slice %arg2[%mul3A_2] : memref<320000xi32, #tpu.memory_space<hbm>> -> memref<10000xi32, #tpu.memory_space<hbm>>
      %dma_wait3A_10 = tpu.memref_slice %arg2[%mul3A_2] : memref<320000xi32, #tpu.memory_space<hbm>> -> memref<10000xi32, #tpu.memory_space<hbm>>
      tpu.wait_dma2 semaphore(%run_scoped3A : memref<!tpu.dma_semaphore, #tpu.memory_space<semaphore_mem>>) src(%dma_wait3A_10 : memref<10000xi32, #tpu.memory_space<hbm>>) dst(%arg5 : memref<10000xi32, #tpu.memory_space<vmem>>)
      tpu.yield
    }) : () -> ()
    %broadcast_in_dim3A = arith.constant 1.000000e+00 : f32
    %broadcast_in_dim3A_3 = vector.broadcast %broadcast_in_dim3A : f32 to vector<16xf32>
    %scan3A = arith.constant 0 : i32
    %scan3A_4 = arith.constant 0 : i32
    %scan3A_5 = arith.constant 125 : i32
    %scan3A_6 = arith.addi %scan3A_4, %scan3A_5 : i32
    %scan3A_7 = arith.constant 1 : i32
    scf.for %scan3A_9 = %scan3A_4 to %scan3A_6 step %scan3A_7  : i32 {
      %mul3A_10 = arith.constant 5 : i32
      %mul3A_11 = arith.muli %scan3A_9, %mul3A_10 : i32
      %add3A_12 = arith.constant 0 : i32
      %add3A_13 = arith.addi %mul3A_11, %add3A_12 : i32
      %mul3A_14 = arith.constant 16 : i32
      %mul3A_15 = arith.muli %add3A_13, %mul3A_14 : i32
      %get3A = arith.index_cast %mul3A_15 : i32 to index
      %get3A_16 = tpu.vector_load %arg5[%get3A] {strides = array<i32>} : memref<10000xi32, #tpu.memory_space<vmem>>, vector<16xi32>,
      tpu.vector_store_idx %arg6[%get3A_16], %broadcast_in_dim3A_3 {add = true} : memref<10240xf32, #tpu.memory_space<vmem>>[vector<16xi32>], vector<16xf32>,
      %mul3A_17 = arith.constant 5 : i32
      %mul3A_18 = arith.muli %scan3A_9, %mul3A_17 : i32
      %add3A_19 = arith.constant 1 : i32
      %add3A_20 = arith.addi %mul3A_18, %add3A_19 : i32
      %mul3A_21 = arith.constant 16 : i32
      %mul3A_22 = arith.muli %add3A_20, %mul3A_21 : i32
      %get3A_23 = arith.index_cast %mul3A_22 : i32 to index
      %get3A_24 = tpu.vector_load %arg5[%get3A_23] {strides = array<i32>} : memref<10000xi32, #tpu.memory_space<vmem>>, vector<16xi32>,
      tpu.vector_store_idx %arg6[%get3A_24], %broadcast_in_dim3A_3 {add = true} : memref<10240xf32, #tpu.memory_space<vmem>>[vector<16xi32>], vector<16xf32>,
      %mul3A_25 = arith.constant 5 : i32
      %mul3A_26 = arith.muli %scan3A_9, %mul3A_25 : i32
      %add3A_27 = arith.constant 2 : i32
      %add3A_28 = arith.addi %mul3A_26, %add3A_27 : i32
      %mul3A_29 = arith.constant 16 : i32
      %mul3A_30 = arith.muli %add3A_28, %mul3A_29 : i32
      %get3A_31 = arith.index_cast %mul3A_30 : i32 to index
      %get3A_32 = tpu.vector_load %arg5[%get3A_31] {strides = array<i32>} : memref<10000xi32, #tpu.memory_space<vmem>>, vector<16xi32>,
      tpu.vector_store_idx %arg6[%get3A_32], %broadcast_in_dim3A_3 {add = true} : memref<10240xf32, #tpu.memory_space<vmem>>[vector<16xi32>], vector<16xf32>,
      %mul3A_33 = arith.constant 5 : i32
      %mul3A_34 = arith.muli %scan3A_9, %mul3A_33 : i32
      %add3A_35 = arith.constant 3 : i32
      %add3A_36 = arith.addi %mul3A_34, %add3A_35 : i32
      %mul3A_37 = arith.constant 16 : i32
      %mul3A_38 = arith.muli %add3A_36, %mul3A_37 : i32
      %get3A_39 = arith.index_cast %mul3A_38 : i32 to index
      %get3A_40 = tpu.vector_load %arg5[%get3A_39] {strides = array<i32>} : memref<10000xi32, #tpu.memory_space<vmem>>, vector<16xi32>,
      tpu.vector_store_idx %arg6[%get3A_40], %broadcast_in_dim3A_3 {add = true} : memref<10240xf32, #tpu.memory_space<vmem>>[vector<16xi32>], vector<16xf32>,
      %mul3A_41 = arith.constant 5 : i32
      %mul3A_42 = arith.muli %scan3A_9, %mul3A_41 : i32
      %add3A_43 = arith.constant 4 : i32
      %add3A_44 = arith.addi %mul3A_42, %add3A_43 : i32
      %mul3A_45 = arith.constant 16 : i32
      %mul3A_46 = arith.muli %add3A_44, %mul3A_45 : i32
      %get3A_47 = arith.index_cast %mul3A_46 : i32 to index
      %get3A_48 = tpu.vector_load %arg5[%get3A_47] {strides = array<i32>} : memref<10000xi32, #tpu.memory_space<vmem>>, vector<16xi32>,
      tpu.vector_store_idx %arg6[%get3A_48], %broadcast_in_dim3A_3 {add = true} : memref<10240xf32, #tpu.memory_space<vmem>>[vector<16xi32>], vector<16xf32>,
    }
    %scan3A_8 = arith.constant 125 : i32
    "tpu.region"() ({
      %run_scoped3A = tpu.sem_alloc : memref<!tpu.dma_semaphore, #tpu.memory_space<semaphore_mem>>
      %dma_start3A = arith.constant 0 : i32
      %dma_start3A_9 = tpu.memref_slice %arg4[%add3A, %dma_start3A] : memref<32x10240xf32, #tpu.memory_space<hbm>> -> memref<1x10240xf32, #tpu.memory_space<hbm>>
      %dma_start3A_10 = tpu.memref_squeeze %dma_start3A_9 : memref<1x10240xf32, #tpu.memory_space<hbm>> -> memref<10240xf32, #tpu.memory_space<hbm>>
      %dma_start3A_11 = arith.constant 0 : i32
      %dma_start3A_12 = tpu.memref_slice %arg4[%add3A, %dma_start3A_11] : memref<32x10240xf32, #tpu.memory_space<hbm>> -> memref<1x10240xf32, #tpu.memory_space<hbm>>
      %dma_start3A_13 = tpu.memref_squeeze %dma_start3A_12 : memref<1x10240xf32, #tpu.memory_space<hbm>> -> memref<10240xf32, #tpu.memory_space<hbm>>
      tpu.enqueue_dma source(%arg6 : memref<10240xf32, #tpu.memory_space<vmem>>) target(%dma_start3A_13 : memref<10240xf32, #tpu.memory_space<hbm>>) target_semaphore(%run_scoped3A : memref<!tpu.dma_semaphore, #tpu.memory_space<semaphore_mem>>)
      %dma_wait3A = arith.constant 0 : i32
      %dma_wait3A_14 = tpu.memref_slice %arg4[%add3A, %dma_wait3A] : memref<32x10240xf32, #tpu.memory_space<hbm>> -> memref<1x10240xf32, #tpu.memory_space<hbm>>
      %dma_wait3A_15 = tpu.memref_squeeze %dma_wait3A_14 : memref<1x10240xf32, #tpu.memory_space<hbm>> -> memref<10240xf32, #tpu.memory_space<hbm>>
      %dma_wait3A_16 = arith.constant 0 : i32
      %dma_wait3A_17 = tpu.memref_slice %arg4[%add3A, %dma_wait3A_16] : memref<32x10240xf32, #tpu.memory_space<hbm>> -> memref<1x10240xf32, #tpu.memory_space<hbm>>
      %dma_wait3A_18 = tpu.memref_squeeze %dma_wait3A_17 : memref<1x10240xf32, #tpu.memory_space<hbm>> -> memref<10240xf32, #tpu.memory_space<hbm>>
      tpu.wait_dma2 semaphore(%run_scoped3A : memref<!tpu.dma_semaphore, #tpu.memory_space<semaphore_mem>>) src(%arg6 : memref<10240xf32, #tpu.memory_space<vmem>>) dst(%dma_wait3A_18 : memref<10240xf32, #tpu.memory_space<hbm>>)
      tpu.yield
    }) : () -> ()
    return
  }
}

module attributes {stable_mosaic.version = 14 : i64} {
  func.func @body(%arg0: i32, %arg1: memref<1024x128xf32, #tpu.memory_space<vmem>>, %arg2: memref<128x64xf32, #tpu.memory_space<vmem>>, %arg3: memref<32x1024xf32, #tpu.memory_space<vmem>>, %arg4: memref<1024x1xf32, #tpu.memory_space<vmem>>, %arg5: memref<1024x64xf32, #tpu.memory_space<vmem>>) attributes {dimension_semantics = [#tpu.dimension_semantics<arbitrary>], iteration_bounds = array<i64: 10>, scalar_prefetch = 0 : i64, scratch_operands = 0 : i64, tpu.core_type = #tpu.core_type<tc>, window_params = [{transform_indices = @transform_0, window_bounds = array<i64: 1024, 128>}, {pipeline_mode = #tpu.pipeline_mode<synchronous>, transform_indices = @transform_1, window_bounds = array<i64: 128, 64>}, {transform_indices = @transform_2, window_bounds = array<i64: 32, 1024>}, {transform_indices = @transform_3, window_bounds = array<i64: 1024, 1>}, {transform_indices = @transform_4, window_bounds = array<i64: 1024, 64>}]} {
    %get3A = arith.constant 0 : index
    %get3A_0 = arith.constant 0 : index
    %get3A_1 = vector.load %arg3[%get3A, %get3A_0] : memref<32x1024xf32, #tpu.memory_space<vmem>>, vector<32x1024xf32>
    %reduce_sum3A = arith.constant dense<0.000000e+00> : vector<1024xf32>
    %reduce_sum3A_2 = vector.multi_reduction <add>, %get3A_1, %reduce_sum3A [0] : vector<32x1024xf32> to vector<1024xf32>
    %add3A = arith.constant 1.000000e+00 : f32
    %add3A_3 = vector.broadcast %add3A : f32 to vector<1024xf32>
    %add3A_4 = arith.addf %reduce_sum3A_2, %add3A_3 : vector<1024xf32>
    %rsqrt3A = math.rsqrt %add3A_4 : vector<1024xf32>
    %broadcast_in_dim3A = vector.shape_cast %rsqrt3A : vector<1024xf32> to vector<1024x1xf32>
    %get3A_5 = arith.constant 0 : index
    %get3A_6 = arith.constant 0 : index
    %get3A_7 = vector.load %arg1[%get3A_5, %get3A_6] : memref<1024x128xf32, #tpu.memory_space<vmem>>, vector<1024x128xf32>
    %get3A_8 = arith.constant 0 : index
    %get3A_9 = arith.constant 0 : index
    %get3A_10 = vector.load %arg2[%get3A_8, %get3A_9] : memref<128x64xf32, #tpu.memory_space<vmem>>, vector<128x64xf32>
    %dot_general3A = arith.constant dense<0.000000e+00> : vector<1024x64xf32>
    %dot_general3A_11 = tpu.matmul %get3A_7, %get3A_10, %dot_general3A {dimension_numbers = #tpu.dot_dimension_numbers<[1], [0], [0], [1], [0, 0, 1, 1], [], []>, transpose_lhs_hint = false} : vector<1024x128xf32>, vector<128x64xf32>, vector<1024x64xf32> -> vector<1024x64xf32>
    %swap3A = arith.constant 0 : index
    %swap3A_12 = arith.constant 0 : index
    %swap3A_13 = vector.load %arg4[%swap3A, %swap3A_12] : memref<1024x1xf32, #tpu.memory_space<vmem>>, vector<1024x1xf32>
    tpu.vector_store %arg4[%swap3A, %swap3A_12], %broadcast_in_dim3A {strides = array<i32>} : memref<1024x1xf32, #tpu.memory_space<vmem>>, vector<1024x1xf32>,
    %mul3A = vector.broadcast %broadcast_in_dim3A : vector<1024x1xf32> to vector<1024x64xf32>
    %mul3A_14 = arith.mulf %dot_general3A_11, %mul3A : vector<1024x64xf32>
    %swap3A_15 = arith.constant 0 : index
    %swap3A_16 = arith.constant 0 : index
    %swap3A_17 = vector.load %arg5[%swap3A_15, %swap3A_16] : memref<1024x64xf32, #tpu.memory_space<vmem>>, vector<1024x64xf32>
    tpu.vector_store %arg5[%swap3A_15, %swap3A_16], %mul3A_14 {strides = array<i32>} : memref<1024x64xf32, #tpu.memory_space<vmem>>, vector<1024x64xf32>,
    return
  }
  func.func @transform_0(%arg0: i32) -> (i32, i32) {
    %c0_i32 = arith.constant 0 : i32
    %c0_i32_0 = arith.constant 0 : i32
    return %arg0, %c0_i32 : i32, i32
  }
  func.func @transform_1(%arg0: i32) -> (i32, i32) {
    %c0_i32 = arith.constant 0 : i32
    %c0_i32_0 = arith.constant 0 : i32
    %c0_i32_1 = arith.constant 0 : i32
    return %c0_i32, %c0_i32_0 : i32, i32
  }
  func.func @transform_2(%arg0: i32) -> (i32, i32) {
    %c0_i32 = arith.constant 0 : i32
    %c0_i32_0 = arith.constant 0 : i32
    return %c0_i32, %arg0 : i32, i32
  }
  func.func @transform_3(%arg0: i32) -> (i32, i32) {
    %c0_i32 = arith.constant 0 : i32
    %c0_i32_0 = arith.constant 0 : i32
    return %arg0, %c0_i32 : i32, i32
  }
  func.func @transform_4(%arg0: i32) -> (i32, i32) {
    %c0_i32 = arith.constant 0 : i32
    %c0_i32_0 = arith.constant 0 : i32
    return %arg0, %c0_i32 : i32, i32
  }
}

module attributes {stable_mosaic.version = 14 : i64} {
  func.func @body(%arg0: i32, %arg1: memref<2x1024x64xf32, #tpu.memory_space<vmem>>, %arg2: memref<1024x64xf32, #tpu.memory_space<vmem>>, %arg3: memref<1024x1xf32, #tpu.memory_space<vmem>>, %arg4: memref<1x64xf32, #tpu.memory_space<vmem>>, %arg5: memref<64x64xf32, #tpu.memory_space<vmem>>, %arg6: memref<1024x64xf32, #tpu.memory_space<vmem>>) attributes {dimension_semantics = [#tpu.dimension_semantics<arbitrary>], iteration_bounds = array<i64: 10>, scalar_prefetch = 0 : i64, scratch_operands = 0 : i64, tpu.core_type = #tpu.core_type<tc>, window_params = [{transform_indices = @transform_0, window_bounds = array<i64: 2, 1024, 64>}, {transform_indices = @transform_1, window_bounds = array<i64: 1024, 64>}, {transform_indices = @transform_2, window_bounds = array<i64: 1024, 1>}, {pipeline_mode = #tpu.pipeline_mode<synchronous>, transform_indices = @transform_3, window_bounds = array<i64: 1, 64>}, {pipeline_mode = #tpu.pipeline_mode<synchronous>, transform_indices = @transform_4, window_bounds = array<i64: 64, 64>}, {transform_indices = @transform_5, window_bounds = array<i64: 1024, 64>}]} {
    %get3A = arith.constant 0 : index
    %get3A_0 = arith.constant 0 : index
    %get3A_1 = vector.load %arg3[%get3A, %get3A_0] : memref<1024x1xf32, #tpu.memory_space<vmem>>, vector<1024x1xf32>
    %get3A_2 = arith.constant 0 : index
    %get3A_3 = arith.constant 0 : index
    %get3A_4 = arith.constant 0 : index
    %get3A_5 = vector.load %arg1[%get3A_2, %get3A_3, %get3A_4] : memref<2x1024x64xf32, #tpu.memory_space<vmem>>, vector<2x1024x64xf32>
    %reduce_sum3A = arith.constant dense<0.000000e+00> : vector<1024x64xf32>
    %reduce_sum3A_6 = vector.multi_reduction <add>, %get3A_5, %reduce_sum3A [0] : vector<2x1024x64xf32> to vector<1024x64xf32>
    %get3A_7 = arith.constant 0 : index
    %get3A_8 = arith.constant 0 : index
    %get3A_9 = vector.load %arg2[%get3A_7, %get3A_8] : memref<1024x64xf32, #tpu.memory_space<vmem>>, vector<1024x64xf32>
    %add3A = arith.addf %reduce_sum3A_6, %get3A_9 : vector<1024x64xf32>
    %mul3A = vector.broadcast %get3A_1 : vector<1024x1xf32> to vector<1024x64xf32>
    %mul3A_10 = arith.mulf %add3A, %mul3A : vector<1024x64xf32>
    %get3A_11 = arith.constant 0 : index
    %get3A_12 = arith.constant 0 : index
    %get3A_13 = vector.load %arg4[%get3A_11, %get3A_12] : memref<1x64xf32, #tpu.memory_space<vmem>>, vector<1x64xf32>
    %add3A_14 = vector.broadcast %get3A_13 : vector<1x64xf32> to vector<1024x64xf32>
    %add3A_15 = arith.addf %mul3A_10, %add3A_14 : vector<1024x64xf32>
    %max3A = arith.constant 0.000000e+00 : f32
    %max3A_16 = vector.broadcast %max3A : f32 to vector<1024x64xf32>
    %max3A_17 = arith.maximumf %add3A_15, %max3A_16 : vector<1024x64xf32>
    %get3A_18 = arith.constant 0 : index
    %get3A_19 = arith.constant 0 : index
    %get3A_20 = vector.load %arg5[%get3A_18, %get3A_19] : memref<64x64xf32, #tpu.memory_space<vmem>>, vector<64x64xf32>
    %dot_general3A = arith.constant dense<0.000000e+00> : vector<1024x64xf32>
    %dot_general3A_21 = tpu.matmul %max3A_17, %get3A_20, %dot_general3A {dimension_numbers = #tpu.dot_dimension_numbers<[1], [0], [0], [1], [0, 0, 1, 1], [], []>, transpose_lhs_hint = false} : vector<1024x64xf32>, vector<64x64xf32>, vector<1024x64xf32> -> vector<1024x64xf32>
    %mul3A_22 = vector.broadcast %get3A_1 : vector<1024x1xf32> to vector<1024x64xf32>
    %mul3A_23 = arith.mulf %dot_general3A_21, %mul3A_22 : vector<1024x64xf32>
    %swap3A = arith.constant 0 : index
    %swap3A_24 = arith.constant 0 : index
    %swap3A_25 = vector.load %arg6[%swap3A, %swap3A_24] : memref<1024x64xf32, #tpu.memory_space<vmem>>, vector<1024x64xf32>
    tpu.vector_store %arg6[%swap3A, %swap3A_24], %mul3A_23 {strides = array<i32>} : memref<1024x64xf32, #tpu.memory_space<vmem>>, vector<1024x64xf32>,
    return
  }
  func.func @transform_0(%arg0: i32) -> (i32, i32, i32) {
    %c0_i32 = arith.constant 0 : i32
    %c0_i32_0 = arith.constant 0 : i32
    %c0_i32_1 = arith.constant 0 : i32
    return %c0_i32, %arg0, %c0_i32_0 : i32, i32, i32
  }
  func.func @transform_1(%arg0: i32) -> (i32, i32) {
    %c0_i32 = arith.constant 0 : i32
    %c0_i32_0 = arith.constant 0 : i32
    return %arg0, %c0_i32 : i32, i32
  }
  func.func @transform_2(%arg0: i32) -> (i32, i32) {
    %c0_i32 = arith.constant 0 : i32
    %c0_i32_0 = arith.constant 0 : i32
    return %arg0, %c0_i32 : i32, i32
  }
  func.func @transform_3(%arg0: i32) -> (i32, i32) {
    %c0_i32 = arith.constant 0 : i32
    %c0_i32_0 = arith.constant 0 : i32
    %c0_i32_1 = arith.constant 0 : i32
    return %c0_i32, %c0_i32_0 : i32, i32
  }
  func.func @transform_4(%arg0: i32) -> (i32, i32) {
    %c0_i32 = arith.constant 0 : i32
    %c0_i32_0 = arith.constant 0 : i32
    %c0_i32_1 = arith.constant 0 : i32
    return %c0_i32, %c0_i32_0 : i32, i32
  }
  func.func @transform_5(%arg0: i32) -> (i32, i32) {
    %c0_i32 = arith.constant 0 : i32
    %c0_i32_0 = arith.constant 0 : i32
    return %arg0, %c0_i32 : i32, i32
  }
}

module attributes {stable_mosaic.version = 14 : i64} {
  func.func @body(%arg0: i32, %arg1: memref<2x1024x64xf32, #tpu.memory_space<vmem>>, %arg2: memref<1024x64xf32, #tpu.memory_space<vmem>>, %arg3: memref<1024x1xf32, #tpu.memory_space<vmem>>, %arg4: memref<1x64xf32, #tpu.memory_space<vmem>>, %arg5: memref<64x4xf32, #tpu.memory_space<vmem>>, %arg6: memref<1x4xf32, #tpu.memory_space<vmem>>, %arg7: memref<1024x64xf32, #tpu.memory_space<vmem>>, %arg8: memref<1024x4xf32, #tpu.memory_space<vmem>>) attributes {dimension_semantics = [#tpu.dimension_semantics<arbitrary>], iteration_bounds = array<i64: 10>, scalar_prefetch = 0 : i64, scratch_operands = 0 : i64, tpu.core_type = #tpu.core_type<tc>, window_params = [{transform_indices = @transform_0, window_bounds = array<i64: 2, 1024, 64>}, {transform_indices = @transform_1, window_bounds = array<i64: 1024, 64>}, {transform_indices = @transform_2, window_bounds = array<i64: 1024, 1>}, {pipeline_mode = #tpu.pipeline_mode<synchronous>, transform_indices = @transform_3, window_bounds = array<i64: 1, 64>}, {pipeline_mode = #tpu.pipeline_mode<synchronous>, transform_indices = @transform_4, window_bounds = array<i64: 64, 4>}, {pipeline_mode = #tpu.pipeline_mode<synchronous>, transform_indices = @transform_5, window_bounds = array<i64: 1, 4>}, {transform_indices = @transform_6, window_bounds = array<i64: 1024, 64>}, {transform_indices = @transform_7, window_bounds = array<i64: 1024, 4>}]} {
    %get3A = arith.constant 0 : index
    %get3A_0 = arith.constant 0 : index
    %get3A_1 = vector.load %arg3[%get3A, %get3A_0] : memref<1024x1xf32, #tpu.memory_space<vmem>>, vector<1024x1xf32>
    %get3A_2 = arith.constant 0 : index
    %get3A_3 = arith.constant 0 : index
    %get3A_4 = arith.constant 0 : index
    %get3A_5 = vector.load %arg1[%get3A_2, %get3A_3, %get3A_4] : memref<2x1024x64xf32, #tpu.memory_space<vmem>>, vector<2x1024x64xf32>
    %reduce_sum3A = arith.constant dense<0.000000e+00> : vector<1024x64xf32>
    %reduce_sum3A_6 = vector.multi_reduction <add>, %get3A_5, %reduce_sum3A [0] : vector<2x1024x64xf32> to vector<1024x64xf32>
    %get3A_7 = arith.constant 0 : index
    %get3A_8 = arith.constant 0 : index
    %get3A_9 = vector.load %arg2[%get3A_7, %get3A_8] : memref<1024x64xf32, #tpu.memory_space<vmem>>, vector<1024x64xf32>
    %add3A = arith.addf %reduce_sum3A_6, %get3A_9 : vector<1024x64xf32>
    %mul3A = vector.broadcast %get3A_1 : vector<1024x1xf32> to vector<1024x64xf32>
    %mul3A_10 = arith.mulf %add3A, %mul3A : vector<1024x64xf32>
    %get3A_11 = arith.constant 0 : index
    %get3A_12 = arith.constant 0 : index
    %get3A_13 = vector.load %arg4[%get3A_11, %get3A_12] : memref<1x64xf32, #tpu.memory_space<vmem>>, vector<1x64xf32>
    %add3A_14 = vector.broadcast %get3A_13 : vector<1x64xf32> to vector<1024x64xf32>
    %add3A_15 = arith.addf %mul3A_10, %add3A_14 : vector<1024x64xf32>
    %max3A = arith.constant 0.000000e+00 : f32
    %max3A_16 = vector.broadcast %max3A : f32 to vector<1024x64xf32>
    %max3A_17 = arith.maximumf %add3A_15, %max3A_16 : vector<1024x64xf32>
    %swap3A = arith.constant 0 : index
    %swap3A_18 = arith.constant 0 : index
    %swap3A_19 = vector.load %arg7[%swap3A, %swap3A_18] : memref<1024x64xf32, #tpu.memory_space<vmem>>, vector<1024x64xf32>
    tpu.vector_store %arg7[%swap3A, %swap3A_18], %max3A_17 {strides = array<i32>} : memref<1024x64xf32, #tpu.memory_space<vmem>>, vector<1024x64xf32>,
    %get3A_20 = arith.constant 0 : index
    %get3A_21 = arith.constant 0 : index
    %get3A_22 = vector.load %arg5[%get3A_20, %get3A_21] : memref<64x4xf32, #tpu.memory_space<vmem>>, vector<64x4xf32>
    %dot_general3A = arith.constant dense<0.000000e+00> : vector<1024x4xf32>
    %dot_general3A_23 = tpu.matmul %max3A_17, %get3A_22, %dot_general3A {dimension_numbers = #tpu.dot_dimension_numbers<[1], [0], [0], [1], [0, 0, 1, 1], [], []>, transpose_lhs_hint = false} : vector<1024x64xf32>, vector<64x4xf32>, vector<1024x4xf32> -> vector<1024x4xf32>
    %get3A_24 = arith.constant 0 : index
    %get3A_25 = arith.constant 0 : index
    %get3A_26 = vector.load %arg6[%get3A_24, %get3A_25] : memref<1x4xf32, #tpu.memory_space<vmem>>, vector<1x4xf32>
    %add3A_27 = vector.broadcast %get3A_26 : vector<1x4xf32> to vector<1024x4xf32>
    %add3A_28 = arith.addf %dot_general3A_23, %add3A_27 : vector<1024x4xf32>
    %swap3A_29 = arith.constant 0 : index
    %swap3A_30 = arith.constant 0 : index
    %swap3A_31 = vector.load %arg8[%swap3A_29, %swap3A_30] : memref<1024x4xf32, #tpu.memory_space<vmem>>, vector<1024x4xf32>
    tpu.vector_store %arg8[%swap3A_29, %swap3A_30], %add3A_28 {strides = array<i32>} : memref<1024x4xf32, #tpu.memory_space<vmem>>, vector<1024x4xf32>,
    return
  }
  func.func @transform_0(%arg0: i32) -> (i32, i32, i32) {
    %c0_i32 = arith.constant 0 : i32
    %c0_i32_0 = arith.constant 0 : i32
    %c0_i32_1 = arith.constant 0 : i32
    return %c0_i32, %arg0, %c0_i32_0 : i32, i32, i32
  }
  func.func @transform_1(%arg0: i32) -> (i32, i32) {
    %c0_i32 = arith.constant 0 : i32
    %c0_i32_0 = arith.constant 0 : i32
    return %arg0, %c0_i32 : i32, i32
  }
  func.func @transform_2(%arg0: i32) -> (i32, i32) {
    %c0_i32 = arith.constant 0 : i32
    %c0_i32_0 = arith.constant 0 : i32
    return %arg0, %c0_i32 : i32, i32
  }
  func.func @transform_3(%arg0: i32) -> (i32, i32) {
    %c0_i32 = arith.constant 0 : i32
    %c0_i32_0 = arith.constant 0 : i32
    %c0_i32_1 = arith.constant 0 : i32
    return %c0_i32, %c0_i32_0 : i32, i32
  }
  func.func @transform_4(%arg0: i32) -> (i32, i32) {
    %c0_i32 = arith.constant 0 : i32
    %c0_i32_0 = arith.constant 0 : i32
    %c0_i32_1 = arith.constant 0 : i32
    return %c0_i32, %c0_i32_0 : i32, i32
  }
  func.func @transform_5(%arg0: i32) -> (i32, i32) {
    %c0_i32 = arith.constant 0 : i32
    %c0_i32_0 = arith.constant 0 : i32
    %c0_i32_1 = arith.constant 0 : i32
    return %c0_i32, %c0_i32_0 : i32, i32
  }
  func.func @transform_6(%arg0: i32) -> (i32, i32) {
    %c0_i32 = arith.constant 0 : i32
    %c0_i32_0 = arith.constant 0 : i32
    return %arg0, %c0_i32 : i32, i32
  }
  func.func @transform_7(%arg0: i32) -> (i32, i32) {
    %c0_i32 = arith.constant 0 : i32
    %c0_i32_0 = arith.constant 0 : i32
    return %arg0, %c0_i32 : i32, i32
  }
}

</mosaic_0001>

<sc_bundles>
// kernel: kernel.11.cloned.1.call-start
scs
__scs_entry_jumppad:
0x0: {  	(pc) =	sbr.rel $0x88, $3  }
0x1: {  	(tag) =	ssettag $0x0;
	lr =	simm.s32 $0x1  }
0x2: {  	[smem:$0x3F99] =	sst lr;
	_ =	strace $0xD0000000  }
0x3: {  	_ = 	snop  }
0x4: {  	_ = 	snop  }
0x5: {  	_ = 	snop  }
0x6: {  	_ = 	snop  }
0x7: {  	_ = 	snop  }
__scs_overlays_trampoline_lowered:
0x8: {  	[smem:$0x3FA8] =	sst s0  }
0x9: {  	[smem:$0x3FA9] =	sst s1  }
0xa: {  	[smem:$0x3FAA] =	sst s2  }
0xb: {  	[smem:$0x3FAB] =	sst s3  }
0xc: {  	[smem:$0x3FAC] =	sst s4  }
0xd: {  	[smem:$0x3FAD] =	sst s5  }
0xe: {  	[smem:$0x3FAE] =	sst s6  }
0xf: {  	[smem:$0x3FAF] =	sst s7  }
0x10: {  	[smem:$0x3FB0] =	sst s8  }
0x11: {  	[smem:$0x3FB1] =	sst s9;
	s0 =	simm.s32 @!p0 $0x0  }
0x12: {  	s1 =	sld [smem:$0x3F97];
	s0 =	simm.s32 @p0 $0x1  }
0x13: {  	[smem:$0x3FB2] =	sst s0;
	s0 =	simm.s32 @!p1 $0x0  }
0x14: {  	s2 =	sld [smem:$0x3F96];
	s0 =	simm.s32 @p1 $0x1  }
0x15: {  	[smem:$0x3FB3] =	sst s0;
	s0 =	simm.s32 @!p2 $0x0  }
0x16: {  	s3 =	sld [smem:$0x3FDB];
	s0 =	simm.s32 @p2 $0x1  }
0x17: {  	s4 =	simm.s32 $0x1BF5;
	[smem:$0x3FB5] =	sst s0  }
0x18: {  	s0 =	sld [smem:$0x3F98];
	_ =	swait.ge [sflag:s4], $0x0  }
0x19: {  	s7 =	sld [smem:$0x3F99]  }
0x1a: {  	s8 =	sadd.s32 $0xFFFFE003, lr  }
0x1b: {  	s9 =	sadd.s32 $0xFFFFFEF7, lr;
	s5 =	simm.s32 $0xFFFFFFFF;
	p2 =	slt.u32 s8, $0xFFFFF086  }
0x1c: {  	p1 =	slt.u32 s9, $0xF7A;
	s5 =	simm.s32 @!p2 $0x0  }
0x1d: {  	s5 =	simm.s32 @p1 $0x1;
	p0 =	seq.s32 s7, s2  }
0x1e: {  	s7 =	smul.u32 @!p0 $0xF7A, s2;
	p2 =	seq.s32 @!p0 s5, $0x0  }
0x1f: {  	s9 =	smul.u32 $0xF7A, s1;
	s8 =	simm.s32 @!p0 $0x1BF5;
	p2 =	por !p2, p0  }
0x20: {  	[sflag:s8] =	ssyncset.s32 @!p0 $0xFFFFF086;
	s6 =	sadd.s32 @!p0 s3, s7;
	s7 =	simm.s32 @!p0 $0x108  }
0x21: {  	s3 =	sadd.s32 s3, s9;
	s6 =	sadd.s32 @!p0 $0x88, s6;
	s7 =	simm.s32 @p2 $0x1082  }
0x22: {  	[simem:s7], [sflag:s8] =	dma.local @!p0 [hbm:s6], $0xF7A  }
0x23: {  	s9 =	sor.u32 $0xD0000000, s2;
	s6 =	simm.s32 $0x108;
	_ =	swait.ge @!p0 [sflag:s8], $0x0  }
0x24: {  	s3 =	sadd.s32 $0x88, s3;
	s6 =	simm.s32 @!p1 $0x1082;
	[sflag:s4] =	ssyncset.s32 $0xFFFFF086  }
0x25: {  	[simem:s6], [sflag:s4] =	dma.local [hbm:s3], $0xF7A  }
0x26: {  	[smem:$0x3F99] =	sst s1;
	(tag) =	ssettag s2;
	_ =	strace s9  }
0x27: {  	s1 =	sld [smem:$0x3FA9]  }
0x28: {  	s2 =	sld [smem:$0x3FAA]  }
0x29: {  	s4 =	sld [smem:$0x3FAC]  }
0x2a: {  	p0 =	seq.s32 s5, $0x0;
	s5 =	sld [smem:$0x3FAD]  }
0x2b: {  	s6 =	sld [smem:$0x3FAE]  }
0x2c: {  	s7 =	sld [smem:$0x3FAF]  }
0x2d: {  	s3 =	simm.s32 $0x108;
	s8 =	sld [smem:$0x3FB0]  }
0x2e: {  	s3 =	simm.s32 @!p0 $0x1082;
	s9 =	sld [smem:$0x3FB1]  }
0x2f: {  	lr =	sadd.s32 s0, s3;
	s0 =	sld [smem:$0x3FA8]  }
0x30: {  	s3 =	sld [smem:$0x3FAB]  }
0x31: {  	[smem:$0x3FB4] =	sst s10  }
0x32: {  	s10 =	sld [smem:$0x3FB2];
	_ =	sdelay $0x3  }
0x33: {  	p0 =	seq.s32 s10, $0x1;
	s10 =	sld [smem:$0x3FB4];
	_ =	sdelay $0x3  }
0x34: {  	[smem:$0x3FB4] =	sst s10  }
0x35: {  	s10 =	sld [smem:$0x3FB3];
	_ =	sdelay $0x3  }
0x36: {  	p1 =	seq.s32 s10, $0x1;
	s10 =	sld [smem:$0x3FB4];
	_ =	sdelay $0x3  }
0x37: {  	[smem:$0x3FB4] =	sst s10  }
0x38: {  	s10 =	sld [smem:$0x3FB5]  }
0x39: {  	_ = 	snop;
	(pc) =	sbr.ind lr, $3  }
0x3a: {  	_ = 	snop  }
0x3b: {  	_ = 	snop  }
0x3c: {  	p2 =	seq.s32 s10, $0x1;
	s10 =	sld [smem:$0x3FB4]  }
0x3d: {  	_ =	shalt  }
0x3e: {  	_ =	shalt  }
0x3f: {  	_ =	shalt  }
0x40: {  	_ =	shalt  }
0x41: {  	_ =	shalt  }
0x42: {  	_ =	shalt  }
0x43: {  	_ =	shalt  }
0x44: {  	_ =	shalt  }
0x45: {  	_ =	shalt  }
0x46: {  	_ =	shalt  }
0x47: {  	_ =	shalt  }
0x48: {  	_ =	shalt  }
0x49: {  	_ =	shalt  }
0x4a: {  	_ =	shalt  }
0x4b: {  	_ =	shalt  }
0x4c: {  	_ =	shalt  }
0x4d: {  	_ =	shalt  }
0x4e: {  	_ =	shalt  }
0x4f: {  	_ =	shalt  }
0x50: {  	_ =	shalt  }
0x51: {  	_ =	shalt  }
0x52: {  	_ =	shalt  }
0x53: {  	_ =	shalt  }
0x54: {  	_ =	shalt  }
0x55: {  	_ =	shalt  }
0x56: {  	_ =	shalt  }
0x57: {  	_ =	shalt  }
0x58: {  	_ =	shalt  }
0x59: {  	_ =	shalt  }
0x5a: {  	_ =	shalt  }
0x5b: {  	_ =	shalt  }
0x5c: {  	_ =	shalt  }
0x5d: {  	_ =	shalt  }
0x5e: {  	_ =	shalt  }
0x5f: {  	_ =	shalt  }
0x60: {  	_ =	shalt  }
0x61: {  	_ =	shalt  }
0x62: {  	_ =	shalt  }
0x63: {  	_ =	shalt  }
0x64: {  	_ =	shalt  }
0x65: {  	_ =	shalt  }
0x66: {  	_ =	shalt  }
0x67: {  	_ =	shalt  }
0x68: {  	_ =	shalt  }
0x69: {  	_ =	shalt  }
0x6a: {  	_ =	shalt  }
0x6b: {  	_ =	shalt  }
0x6c: {  	_ =	shalt  }
0x6d: {  	_ =	shalt  }
0x6e: {  	_ =	shalt  }
0x6f: {  	_ =	shalt  }
0x70: {  	_ =	shalt  }
0x71: {  	_ =	shalt  }
0x72: {  	_ =	shalt  }
0x73: {  	_ =	shalt  }
0x74: {  	_ =	shalt  }
0x75: {  	_ =	shalt  }
0x76: {  	_ =	shalt  }
0x77: {  	_ =	shalt  }
0x78: {  	_ =	shalt  }
0x79: {  	_ =	shalt  }
0x7a: {  	_ =	shalt  }
0x7b: {  	_ =	shalt  }
0x7c: {  	_ =	shalt  }
0x7d: {  	_ =	shalt  }
0x7e: {  	_ =	shalt  }
0x7f: {  	_ =	shalt  }
0x80: {  	_ =	shalt  }
0x81: {  	_ =	shalt  }
0x82: {  	_ =	shalt  }
0x83: {  	_ =	shalt  }
0x84: {  	_ =	shalt  }
0x85: {  	_ =	shalt  }
0x86: {  	_ =	shalt  }
0x87: {  	_ =	shalt  }
.Lfunc_end0:
.L_simem_size_0:
called_computation.1_lowered:
.L_overlay_start_0:
0x88: {  	s2 =	sld [smem:$0x3FD9]  }
0x89: {  	s3 =	sld [smem:$0x3FFE];
	_ =	sdelay $0x1  }
0x8a: {  	s1 =	srdreg.scid  }
0x8b: {  	s0 =	sand.u32 $0x1, s1  }
0x8c: {  	s14 =	sshll.u32 s0, $0xA;
	s2 =	sadd.s32 s3, s2  }
0x8d: {  	s2 =	sadd.s32 s2, s14  }
0x8e: {  	[smem:$0x3FC0] =	sst s2  }
0x8f: {  	_ = 	snop  }
0x90: {  	s2 =	sld [smem:$0x3FD0];
	_ =	sdelay $0x2  }
0x91: {  	s15 =	simm.s32 $0xA;
	s4 =	simm.s32 $0x10  }
0x92: {  	[smem:s4], [sflag:s15] =	dma.local [hbm:s2], $0x1  }
0x93: {  	_ =	swait.eq [sflag:s15], $0x1  }
0x94: {  	[sflag:s15] =	ssyncset.done $0x0  }
0x95: {  	[sflag:s15] =	ssyncadd.s32 $0xFFFFFFFF  }
0x96: {  	s16 =	sld [smem:$0x10];
	(tm) =	ssettm $0x1  }
0x97: {  	s17 =	sld [smem:$0x3FFB];
	_ =	sdelay $0x3  }
0x98: {  	_ =	strace s17  }
0x99: {  	s3 =	sld [smem:$0x3FFC];
	_ =	sdelay $0x3  }
0x9a: {  	_ =	strace s3  }
0x9b: {  	s3 =	sld [smem:$0x3FFD];
	_ =	sdelay $0x3  }
0x9c: {  	_ =	strace s3  }
0x9d: {  	_ =	strace $0x8FFFFFFF  }
0x9e: {  	s18 =	sld [smem:$0x3FDB];
	_ =	sdelay $0x1  }
0x9f: {  	s19 =	simm.s32 $_scs_section_size  }
0xa0: {  	s5 =	simm.s32 $_size__tile_overlayer_lowered;
	s6 =	simm.s32 $_tile_overlayer_lowered  }
0xa1: {  	s22 =	simm.s32 $0x1BFF;
	s21 =	sshll.u32 s6, $0x1;
	s3 =	sadd.s32 s19, s18  }
0xa2: {  	s7 =	simm.s32 $0x0;
	s20 =	sshll.u32 s5, $0x1;
	s5 =	sadd.s32 s21, s3  }
0xa3: {  	[timem:s7], [sflag:s22] =	dma.local [hbm:s5], s20  }
0xa4: {  	_ =	swait.ge [sflag:s22], s20  }
0xa5: {  	s4 =	ssub.s32 $0x0, s20;
	[sflag:s22] =	ssyncset.done $0x0  }
0xa6: {  	[sflag:s22] =	ssyncadd.s32 s4;
	_ =	sdelay $0x1  }
0xa7: {  	s23 =	simm.s32 $0x1B8B  }
0xa8: {  	_ =	swait.ge [sflag:s23], $0x1  }
0xa9: {  	[sflag:s23] =	ssyncset.done $0x0  }
0xaa: {  	s25 =	simm.s32 $0x1B8E;
	s24 =	sld [smem:$0x3FFE];
	[sflag:s23] =	ssyncadd.s32 $0xFFFFFFFF  }
0xab: {  	s26 =	simm.s32 $execute0_lowered;
	[smem:$0x3FD2] =	sst s25  }
0xac: {  	s5 =	sshll.u32 s26, $0x1;
	_ =	strace $0x80000049;
	[dreg:$0x1] =	wrdreg $0xFFFFFFFF  }
0xad: {  	s28 =	simm.s32 $_size_execute0_lowered;
	s3 =	sadd.s32 s3, s5;
	[dreg:$0x0] =	wrdreg $0x0  }
0xae: {  	s5 =	sshll.u32 s28, $0x1;
	[dreg:$0x2] =	wrdreg s3  }
0xaf: {  	[dreg:$0x3] =	wrdreg s5  }
0xb0: {  	[dreg:$0x4] =	wrdreg $0xC0  }
0xb1: {  	_ =	task [dreg:s7], $0x5FFFF  }
0xb2: {  	[dreg:$0x1] =	wrdreg $0xFFFFFFFF  }
0xb3: {  	[dreg:$0x0] =	wrdreg $0x60  }
0xb4: {  	[dreg:$0x2] =	wrdreg s24  }
0xb5: {  	[dreg:$0x3] =	wrdreg s16  }
0xb6: {  	[dreg:$0x4] =	wrdreg $0xB2200  }
0xb7: {  	[dreg:$0x5] =	wrdreg $0x9  }
0xb8: {  	_ =	task.clear_ibuf [dreg:s7], $0x6FFFF;
	_ =	strace $0x90000049  }
0xb9: {  	s29 =	simm.s32 $0x9;
	_ =	strace $0x8000004B  }
0xba: {  	_ =	swait.ge [sflag:s29], $0x1  }
0xbb: {  	[sflag:s29] =	ssyncadd.s32 $0xFFFFFFFF  }
0xbc: {  	_ =	strace $0x9000004B  }
0xbd: {  	_ =	sfence  }
0xbe: {  	s30 =	sld [smem:$0x0];
	_ =	sdelay $0x2  }
0xbf: {  	s31 =	sshll.u32 s1, $0xD;
	s1 =	sshrl.u32 s1, $0x2  }
0xc0: {  	s3 =	sand.u32 $0x4000, s31;
	s1 =	sadd.s32 s1, s30  }
0xc1: {  	s0 =	sor.u32 s3, s0;
	s1 =	sshll.u32 s1, $0x11  }
0xc2: {  	s0 =	sor.u32 s1, s0  }
0xc3: {  	s0 =	sadd.s32 $0x8F2B, s0  }
0xc4: {  	[sflag:s0] =	ssyncadd.remote.s32 $0x1  }
0xc5: {  	_ =	sfence.sel $0xFFFF  }
0xc6: {  	[dreg:$0x0] =	wrdreg $0xFFFFFFFF;
	(pc) =	sbr.abs _section_cstart, $3  }
0xc7: {  	[dreg:$0x1] =	wrdreg $0xFFFFFFFF  }
0xc8: {  	_ =	task.clear_ibuf [dreg:s7], $0x2FFFF;
	_ =	strace $0x9FFFFFFF  }
0xc9: {  	(tm) =	ssettm $0x7FFFFFFF  }
tec
execute0_lowered:
.L_overlay_start_1:
0x0: {  	(tag) =	ssettag $0x1  }
0x1: {  	s0 =	rddreg [dreg:$0x0]  }
0x2: {  	s3 =	rddreg [dreg:$0x2];
	s1 =	srdreg.scid  }
0x3: {  	s8 =	stileid.u32;
	s4 =	simm.s32 $0x0;
	s12 =	simm.s32 $0x7  }
0x4: {  	s13 =	simm.s32 $0x2710;
	s14 =	simm.s32 $0x80;
	s15 =	simm.s32 $0x4E20  }
0x5: {  	s16 =	simm.s32 $0x6E20;
	s17 =	simm.s32 $0x1;
	s19 =	simm.s32 $0x8E20  }
0x6: {  	s20 =	simm.s32 $0x2;
	s22 =	simm.s32 $0x4;
	s24 =	simm.s32 $0x3  }
0x7: {  	s28 =	simm.s32 $0x200;
	s29 =	simm.s32 $0x6;
	s30 =	simm.s32 $0x10  }
0x8: {  	s31 =	simm.s32 $0x2700;
	s1 =	sand.u32 $0x1, s1;
	s2 =	sshll.u32 s8, $0x1  }
0x9: {  	s6 =	smul.u32 $0xA000, s8;
	[smem:$0x7FF] =	sst s4;
	s5 =	sadd.s32 $0x15A00, s0  }
0xa: {  	s8 =	sshll.u32 s8, $0x6;
	s2 =	sor.u32 s1, s2;
	s7 =	smul.u32 $0xA0000, s1  }
0xb: {  	_ =	strace $0x8000004A;
	s1 =	ssub.s32 $0x2, s1;
	s2 =	smul.u32 $0x4E2, s2  }
0xc: {  	s26 =	sshrl.u32 s1, $0x1;
	s11 =	sadd.s32 s6, s3;
	s7 =	sadd.s32 s6, s7  }
.Ltmp0:
0xd: {  	s1 =	ssub.s32 s1, s26;
	s6 =	sor.u32 $0x1C07, s8;
	(pc) =	sbr.rel .LBB2_1-.Ltmp0, $4  }
0xe: {  	s11 =	sshrl.u32 s11, $0x3;
	s26 =	simm.s32 $0x5;
	s2 =	sadd.s32 s2, s0  }
0xf: {  	s7 =	sshrl.u32 s7, $0x3;
	s10 =	smax.u32 s1, $0x1;
	s1 =	simm.s32 $0x4E10  }
0x10: {  	s0 =	sadd.s32 s7, s0;
	s7 =	sadd.s32 $0x1E00, s2;
	s8 =	sadd.s32 $0xBC00, s2  }
0x11: {  	s2 =	simm.s32 $0x0;
	s9 =	sadd.s32 $0x29A00, s0;
	s0 =	simm.s32 $0xAE20  }
.LBB2_4:
0x12: {  	_ =	swait.ge [sflag:s24], $0x2000  }
0x13: {  	[sflag:s24] =	ssyncset.done $0x0  }
0x14: {  	[sflag:s24] =	ssyncadd.s32 $0xFFFFE000  }
0x15: {  	[spmem:s3] =	stream.indirect.scatter.add.f32 [tilespmem:s19], [sflag:$0x6], $0x40, s23, s14, $0xb8;
	[tilespmem:$0x15220] =	vst v63  }
0x16: {  	_ =	swait.ge [sflag:s26], $0x2000  }
0x17: {  	[sflag:s26] =	ssyncset.done $0x0  }
0x18: {  	[sflag:s26] =	ssyncadd.s32 $0xFFFFE000  }
0x19: {  	_ =	swait.ge [sflag:s29], $0x2000  }
0x1a: {  	[sflag:s29] =	ssyncset.done $0x0  }
0x1b: {  	[sflag:s29] =	ssyncadd.s32 $0xFFFFE000  }
0x1c: {  	[tilespmem:s0], [sflag:$0x1] =	stream.indirect.gather [hbm4b:s5+s30], $0x40, s31, s30, $0xb8;
	[tilespmem:$0x15220] =	vst v63  }
0x1d: {  	_ =	swait.ge [sflag:s17], $0x400  }
0x1e: {  	[sflag:s17] =	ssyncset.done $0x0  }
0x1f: {  	[sflag:s17] =	ssyncadd.s32 $0xFFFFFC00  }
0x20: {  	[spmem:s3] =	stream.indirect.scatter.add.f32 [tilespmem:s0], [sflag:$0x7], $0x40, s1, s30, $0xb8;
	[tilespmem:$0x15220] =	vst v63  }
0x21: {  	_ =	swait.ge [sflag:s12], $0x400  }
0x22: {  	s2 =	sadd.s32 $0x1, s2;
	[sflag:s12] =	ssyncset.done $0x0  }
0x23: {  	p0 =	sne.s32 s2, s10;
	[sflag:s12] =	ssyncadd.s32 $0xFFFFFC00  }
.Ltmp1:
0x24: {  	[bflag:$0x0] =	sbarrier.arrive $0xFFFF;
	(pc) =	sbr.rel @!p0 .LBB2_5-.Ltmp1, $4  }
0x25: {  	[hbm:s9], [sflag:s6] =	dma.local [spmem:s11], $0x1400  }
0x26: {  	_ =	swait.ge [sflag:s12], $0x1400  }
0x27: {  	[sflag:s12] =	ssyncset.done $0x0  }
0x28: {  	[sflag:s12] =	ssyncadd.s32 $0xFFFFEC00  }
.LBB2_1:
0x29: {  	s18 =	rddreg [dreg:$0x1]  }
0x2a: {  	[spmem:s11], [sflag:s6] =	dma.local [hbm:s18], $0x1400  }
0x2b: {  	_ =	swait.ge [sflag:s12], $0x1400  }
0x2c: {  	[sflag:s12] =	ssyncset.done $0x0  }
0x2d: {  	[sflag:s12] =	ssyncadd.s32 $0xFFFFEC00  }
0x2e: {  	[bflag:$0x0] =	sbarrier.arrive $0xFFFF  }
0x2f: {  	[tilespmem:s4], [sflag:$0x7] =	stream.linear.gather [hbm4b:s7+s4], $0x2710, $0x38;
	[tilespmem:$0x15220] =	vst v63  }
0x30: {  	_ =	swait.ge [sflag:s12], $0x2710  }
0x31: {  	[sflag:s12] =	ssyncset.done $0x0  }
0x32: {  	[sflag:s12] =	ssyncadd.s32 $0xFFFFD8F0  }
0x33: {  	[tilespmem:s13], [sflag:$0x7] =	stream.linear.gather [hbm4b:s8+s4], $0x2710, $0x38;
	[tilespmem:$0x15220] =	vst v63  }
0x34: {  	_ =	swait.ge [sflag:s12], $0x2710  }
0x35: {  	[sflag:s12] =	ssyncset.done $0x0  }
0x36: {  	[sflag:s12] =	ssyncadd.s32 $0xFFFFD8F0  }
0x37: {  	[tilespmem:s15], [sflag:$0x1] =	stream.indirect.gather [hbm4b:s5+s14], $0x40, s4, s14, $0xb8;
	[tilespmem:$0x15220] =	vst v63  }
0x38: {  	_ = 	snop  }
0x39: {  	[tilespmem:s16], [sflag:$0x2] =	stream.indirect.gather [hbm4b:s5+s14], $0x40, s14, s14, $0xb8;
	[tilespmem:$0x15220] =	vst v63  }
0x3a: {  	_ =	swait.ge [sflag:s17], $0x2000  }
0x3b: {  	[sflag:s17] =	ssyncset.done $0x0  }
0x3c: {  	[sflag:s17] =	ssyncadd.s32 $0xFFFFE000  }
0x3d: {  	[spmem:s3] =	stream.indirect.scatter.add.f32 [tilespmem:s15], [sflag:$0x4], $0x40, s13, s14, $0xb8;
	[tilespmem:$0x15220] =	vst v63  }
0x3e: {  	s25 =	simm.s32 $0x100  }
0x3f: {  	[tilespmem:s19], [sflag:$0x3] =	stream.indirect.gather [hbm4b:s5+s14], $0x40, s25, s14, $0xb8;
	[tilespmem:$0x15220] =	vst v63  }
0x40: {  	_ =	swait.ge [sflag:s20], $0x2000  }
0x41: {  	[sflag:s20] =	ssyncset.done $0x0  }
0x42: {  	s21 =	simm.s32 $0x2790;
	[sflag:s20] =	ssyncadd.s32 $0xFFFFE000  }
0x43: {  	[spmem:s3] =	stream.indirect.scatter.add.f32 [tilespmem:s16], [sflag:$0x5], $0x40, s21, s14, $0xb8;
	[tilespmem:$0x15220] =	vst v63  }
0x44: {  	_ =	swait.ge [sflag:s22], $0x2000  }
0x45: {  	[sflag:s22] =	ssyncset.done $0x0  }
0x46: {  	s23 =	simm.s32 $0x180;
	[sflag:s22] =	ssyncadd.s32 $0xFFFFE000  }
0x47: {  	[tilespmem:s15], [sflag:$0x1] =	stream.indirect.gather [hbm4b:s5+s14], $0x40, s23, s14, $0xb8;
	[tilespmem:$0x15220] =	vst v63  }
0x48: {  	_ =	swait.ge [sflag:s24], $0x2000  }
0x49: {  	[sflag:s24] =	ssyncset.done $0x0  }
0x4a: {  	s25 =	simm.s32 $0x2810;
	[sflag:s24] =	ssyncadd.s32 $0xFFFFE000  }
0x4b: {  	[spmem:s3] =	stream.indirect.scatter.add.f32 [tilespmem:s19], [sflag:$0x6], $0x40, s25, s14, $0xb8;
	[tilespmem:$0x15220] =	vst v63  }
0x4c: {  	_ =	swait.ge [sflag:s26], $0x2000  }
0x4d: {  	[sflag:s26] =	ssyncset.done $0x0  }
0x4e: {  	s18 =	simm.s32 $0x0;
	[sflag:s26] =	ssyncadd.s32 $0xFFFFE000  }
0x4f: {  	[tilespmem:s16], [sflag:$0x2] =	stream.indirect.gather [hbm4b:s5+s14], $0x40, s28, s14, $0xb8;
	[tilespmem:$0x15220] =	vst v63  }
.LBB2_2:
0x50: {  	_ =	swait.ge [sflag:s17], $0x2000  }
0x51: {  	s21 =	sshra.s32 s18, $0x2;
	[sflag:s17] =	ssyncset.done $0x0  }
0x52: {  	s23 =	sadd.s32 $0x2890, s21;
	[sflag:s17] =	ssyncadd.s32 $0xFFFFE000  }
0x53: {  	[spmem:s3] =	stream.indirect.scatter.add.f32 [tilespmem:s15], [sflag:$0x4], $0x40, s23, s14, $0xb8;
	[tilespmem:$0x15220] =	vst v63  }
0x54: {  	_ =	swait.ge [sflag:s29], $0x2000  }
0x55: {  	[sflag:s29] =	ssyncset.done $0x0  }
0x56: {  	s25 =	sadd.s32 $0x280, s21;
	[sflag:s29] =	ssyncadd.s32 $0xFFFFE000  }
0x57: {  	[tilespmem:s19], [sflag:$0x3] =	stream.indirect.gather [hbm4b:s5+s14], $0x40, s25, s14, $0xb8;
	[tilespmem:$0x15220] =	vst v63  }
0x58: {  	_ =	swait.ge [sflag:s20], $0x2000  }
0x59: {  	p0 =	seq.s32 s18, $0x9000;
	[sflag:s20] =	ssyncset.done $0x0  }
.Ltmp2:
0x5a: {  	s25 =	sadd.s32 $0x2910, s21;
	[sflag:s20] =	ssyncadd.s32 $0xFFFFE000;
	(pc) =	sbr.rel @p0 .LBB2_4-.Ltmp2, $4  }
0x5b: {  	[spmem:s3] =	stream.indirect.scatter.add.f32 [tilespmem:s16], [sflag:$0x5], $0x40, s25, s14, $0xb8;
	[tilespmem:$0x15220] =	vst v63  }
0x5c: {  	_ =	swait.ge [sflag:s22], $0x2000  }
0x5d: {  	[sflag:s22] =	ssyncset.done $0x0  }
0x5e: {  	s23 =	sadd.s32 $0x2990, s21;
	[sflag:s22] =	ssyncadd.s32 $0xFFFFE000  }
0x5f: {  	s25 =	sadd.s32 $0x300, s21  }
0x60: {  	[tilespmem:s15], [sflag:$0x1] =	stream.indirect.gather [hbm4b:s5+s14], $0x40, s25, s14, $0xb8;
	[tilespmem:$0x15220] =	vst v63  }
0x61: {  	_ =	swait.ge [sflag:s24], $0x2000  }
0x62: {  	[sflag:s24] =	ssyncset.done $0x0  }
0x63: {  	[sflag:s24] =	ssyncadd.s32 $0xFFFFE000  }
0x64: {  	[spmem:s3] =	stream.indirect.scatter.add.f32 [tilespmem:s19], [sflag:$0x6], $0x40, s23, s14, $0xb8;
	[tilespmem:$0x15220] =	vst v63  }
.Ltmp3:
0x65: {  	_ = 	snop;
	(pc) =	sbr.rel .LBB2_2-.Ltmp3, $4  }
0x66: {  	_ =	swait.ge [sflag:s26], $0x2000  }
0x67: {  	[sflag:s26] =	ssyncset.done $0x0  }
0x68: {  	s18 =	sadd.s32 $0x600, s18;
	s25 =	sadd.s32 $0x380, s21;
	[sflag:s26] =	ssyncadd.s32 $0xFFFFE000  }
0x69: {  	[tilespmem:s16], [sflag:$0x2] =	stream.indirect.gather [hbm4b:s5+s14], $0x40, s25, s14, $0xb8;
	[tilespmem:$0x15220] =	vst v63  }
.LBB2_5:
0x6a: {  	_ =	sfence.sel $0x180000  }
0x6b: {  	[bflag:$0x0] =	sbarrier.arrive $0xFFFF  }
0x6c: {  	_ =	strace $0x9000004A  }
0x6d: {  	s0 =	stileid.u32;
	[bflag:$0x2] =	sbarrier.arrive $0xFFFF  }
0x6e: {  	p0 =	sne.s32 s0, $0x0;
	s0 =	rddreg [dreg:$0x3]  }
0x6f: {  	s0 =	sadd.s32 @!p0 $0x100000, s0  }
0x70: {  	[sflag:s0] =	ssyncadd.tile.s32 @!p0 $0x1;
	_ =	shalt  }
.Lfunc_end2:
_tile_overlayer_lowered:
.L_overlay_start_2:
0x71: {  	(tag) =	ssettag $0x2  }
0x72: {  	s0 =	rddreg [dreg:$0x0];
	s2 =	stileid.u32  }
0x73: {  	s1 =	rddreg [dreg:$0x1];
	p0 =	sne.s32 s2, $0x0  }
0x74: {  	s3 =	rddreg [dreg:$0x2];
	[bflag:$0x3] =	sbarrier.arrive $0xFFFF;
	s2 =	simm.s32 @!p0 $0x1C07  }
0x75: {  	[timem:s3], [sflag:s2] =	dma.local @!p0 [hbm:s0], s1  }
0x76: {  	s0 =	simm.s32 @!p0 $0x7  }
0x77: {  	_ =	swait.ge @!p0 [sflag:s0], s1  }
0x78: {  	s1 =	ssub.s32 @!p0 $0x0, s1;
	[sflag:s0] =	ssyncset.done @!p0 $0x0  }
0x79: {  	[sflag:s0] =	ssyncadd.s32 @!p0 s1  }
0x7a: {  	[bflag:$0x3] =	sbarrier.arrive $0xFFFF  }
0x7b: {  	_ =	shalt  }

// kernel: kernel.14.cloned.1.call-start
scs
__scs_entry_jumppad:
0x0: {  	(pc) =	sbr.rel $0x88, $3  }
0x1: {  	(tag) =	ssettag $0x0;
	lr =	simm.s32 $0x1  }
0x2: {  	[smem:$0x3F99] =	sst lr;
	_ =	strace $0xD0000000  }
0x3: {  	_ = 	snop  }
0x4: {  	_ = 	snop  }
0x5: {  	_ = 	snop  }
0x6: {  	_ = 	snop  }
0x7: {  	_ = 	snop  }
__scs_overlays_trampoline_lowered:
0x8: {  	[smem:$0x3FA8] =	sst s0  }
0x9: {  	[smem:$0x3FA9] =	sst s1  }
0xa: {  	[smem:$0x3FAA] =	sst s2  }
0xb: {  	[smem:$0x3FAB] =	sst s3  }
0xc: {  	[smem:$0x3FAC] =	sst s4  }
0xd: {  	[smem:$0x3FAD] =	sst s5  }
0xe: {  	[smem:$0x3FAE] =	sst s6  }
0xf: {  	[smem:$0x3FAF] =	sst s7  }
0x10: {  	[smem:$0x3FB0] =	sst s8  }
0x11: {  	[smem:$0x3FB1] =	sst s9;
	s0 =	simm.s32 @!p0 $0x0  }
0x12: {  	s1 =	sld [smem:$0x3F97];
	s0 =	simm.s32 @p0 $0x1  }
0x13: {  	[smem:$0x3FB2] =	sst s0;
	s0 =	simm.s32 @!p1 $0x0  }
0x14: {  	s2 =	sld [smem:$0x3F96];
	s0 =	simm.s32 @p1 $0x1  }
0x15: {  	[smem:$0x3FB3] =	sst s0;
	s0 =	simm.s32 @!p2 $0x0  }
0x16: {  	s3 =	sld [smem:$0x3FDB];
	s0 =	simm.s32 @p2 $0x1  }
0x17: {  	s4 =	simm.s32 $0x1BF5;
	[smem:$0x3FB5] =	sst s0  }
0x18: {  	s0 =	sld [smem:$0x3F98];
	_ =	swait.ge [sflag:s4], $0x0  }
0x19: {  	s7 =	sld [smem:$0x3F99]  }
0x1a: {  	s8 =	sadd.s32 $0xFFFFE003, lr  }
0x1b: {  	s9 =	sadd.s32 $0xFFFFFEF7, lr;
	s5 =	simm.s32 $0xFFFFFFFF;
	p2 =	slt.u32 s8, $0xFFFFF086  }
0x1c: {  	p1 =	slt.u32 s9, $0xF7A;
	s5 =	simm.s32 @!p2 $0x0  }
0x1d: {  	s5 =	simm.s32 @p1 $0x1;
	p0 =	seq.s32 s7, s2  }
0x1e: {  	s7 =	smul.u32 @!p0 $0xF7A, s2;
	p2 =	seq.s32 @!p0 s5, $0x0  }
0x1f: {  	s9 =	smul.u32 $0xF7A, s1;
	s8 =	simm.s32 @!p0 $0x1BF5;
	p2 =	por !p2, p0  }
0x20: {  	[sflag:s8] =	ssyncset.s32 @!p0 $0xFFFFF086;
	s6 =	sadd.s32 @!p0 s3, s7;
	s7 =	simm.s32 @!p0 $0x108  }
0x21: {  	s3 =	sadd.s32 s3, s9;
	s6 =	sadd.s32 @!p0 $0x88, s6;
	s7 =	simm.s32 @p2 $0x1082  }
0x22: {  	[simem:s7], [sflag:s8] =	dma.local @!p0 [hbm:s6], $0xF7A  }
0x23: {  	s9 =	sor.u32 $0xD0000000, s2;
	s6 =	simm.s32 $0x108;
	_ =	swait.ge @!p0 [sflag:s8], $0x0  }
0x24: {  	s3 =	sadd.s32 $0x88, s3;
	s6 =	simm.s32 @!p1 $0x1082;
	[sflag:s4] =	ssyncset.s32 $0xFFFFF086  }
0x25: {  	[simem:s6], [sflag:s4] =	dma.local [hbm:s3], $0xF7A  }
0x26: {  	[smem:$0x3F99] =	sst s1;
	(tag) =	ssettag s2;
	_ =	strace s9  }
0x27: {  	s1 =	sld [smem:$0x3FA9]  }
0x28: {  	s2 =	sld [smem:$0x3FAA]  }
0x29: {  	s4 =	sld [smem:$0x3FAC]  }
0x2a: {  	p0 =	seq.s32 s5, $0x0;
	s5 =	sld [smem:$0x3FAD]  }
0x2b: {  	s6 =	sld [smem:$0x3FAE]  }
0x2c: {  	s7 =	sld [smem:$0x3FAF]  }
0x2d: {  	s3 =	simm.s32 $0x108;
	s8 =	sld [smem:$0x3FB0]  }
0x2e: {  	s3 =	simm.s32 @!p0 $0x1082;
	s9 =	sld [smem:$0x3FB1]  }
0x2f: {  	lr =	sadd.s32 s0, s3;
	s0 =	sld [smem:$0x3FA8]  }
0x30: {  	s3 =	sld [smem:$0x3FAB]  }
0x31: {  	[smem:$0x3FB4] =	sst s10  }
0x32: {  	s10 =	sld [smem:$0x3FB2];
	_ =	sdelay $0x3  }
0x33: {  	p0 =	seq.s32 s10, $0x1;
	s10 =	sld [smem:$0x3FB4];
	_ =	sdelay $0x3  }
0x34: {  	[smem:$0x3FB4] =	sst s10  }
0x35: {  	s10 =	sld [smem:$0x3FB3];
	_ =	sdelay $0x3  }
0x36: {  	p1 =	seq.s32 s10, $0x1;
	s10 =	sld [smem:$0x3FB4];
	_ =	sdelay $0x3  }
0x37: {  	[smem:$0x3FB4] =	sst s10  }
0x38: {  	s10 =	sld [smem:$0x3FB5]  }
0x39: {  	_ = 	snop;
	(pc) =	sbr.ind lr, $3  }
0x3a: {  	_ = 	snop  }
0x3b: {  	_ = 	snop  }
0x3c: {  	p2 =	seq.s32 s10, $0x1;
	s10 =	sld [smem:$0x3FB4]  }
0x3d: {  	_ =	shalt  }
0x3e: {  	_ =	shalt  }
0x3f: {  	_ =	shalt  }
0x40: {  	_ =	shalt  }
0x41: {  	_ =	shalt  }
0x42: {  	_ =	shalt  }
0x43: {  	_ =	shalt  }
0x44: {  	_ =	shalt  }
0x45: {  	_ =	shalt  }
0x46: {  	_ =	shalt  }
0x47: {  	_ =	shalt  }
0x48: {  	_ =	shalt  }
0x49: {  	_ =	shalt  }
0x4a: {  	_ =	shalt  }
0x4b: {  	_ =	shalt  }
0x4c: {  	_ =	shalt  }
0x4d: {  	_ =	shalt  }
0x4e: {  	_ =	shalt  }
0x4f: {  	_ =	shalt  }
0x50: {  	_ =	shalt  }
0x51: {  	_ =	shalt  }
0x52: {  	_ =	shalt  }
0x53: {  	_ =	shalt  }
0x54: {  	_ =	shalt  }
0x55: {  	_ =	shalt  }
0x56: {  	_ =	shalt  }
0x57: {  	_ =	shalt  }
0x58: {  	_ =	shalt  }
0x59: {  	_ =	shalt  }
0x5a: {  	_ =	shalt  }
0x5b: {  	_ =	shalt  }
0x5c: {  	_ =	shalt  }
0x5d: {  	_ =	shalt  }
0x5e: {  	_ =	shalt  }
0x5f: {  	_ =	shalt  }
0x60: {  	_ =	shalt  }
0x61: {  	_ =	shalt  }
0x62: {  	_ =	shalt  }
0x63: {  	_ =	shalt  }
0x64: {  	_ =	shalt  }
0x65: {  	_ =	shalt  }
0x66: {  	_ =	shalt  }
0x67: {  	_ =	shalt  }
0x68: {  	_ =	shalt  }
0x69: {  	_ =	shalt  }
0x6a: {  	_ =	shalt  }
0x6b: {  	_ =	shalt  }
0x6c: {  	_ =	shalt  }
0x6d: {  	_ =	shalt  }
0x6e: {  	_ =	shalt  }
0x6f: {  	_ =	shalt  }
0x70: {  	_ =	shalt  }
0x71: {  	_ =	shalt  }
0x72: {  	_ =	shalt  }
0x73: {  	_ =	shalt  }
0x74: {  	_ =	shalt  }
0x75: {  	_ =	shalt  }
0x76: {  	_ =	shalt  }
0x77: {  	_ =	shalt  }
0x78: {  	_ =	shalt  }
0x79: {  	_ =	shalt  }
0x7a: {  	_ =	shalt  }
0x7b: {  	_ =	shalt  }
0x7c: {  	_ =	shalt  }
0x7d: {  	_ =	shalt  }
0x7e: {  	_ =	shalt  }
0x7f: {  	_ =	shalt  }
0x80: {  	_ =	shalt  }
0x81: {  	_ =	shalt  }
0x82: {  	_ =	shalt  }
0x83: {  	_ =	shalt  }
0x84: {  	_ =	shalt  }
0x85: {  	_ =	shalt  }
0x86: {  	_ =	shalt  }
0x87: {  	_ =	shalt  }
.Lfunc_end0:
.L_simem_size_0:
called_computation.2_lowered:
.L_overlay_start_0:
0x88: {  	s2 =	sld [smem:$0x3FD9]  }
0x89: {  	s3 =	sld [smem:$0x3FFE];
	_ =	sdelay $0x1  }
0x8a: {  	s1 =	srdreg.scid  }
0x8b: {  	s0 =	sand.u32 $0x1, s1  }
0x8c: {  	s14 =	sshll.u32 s0, $0xA;
	s2 =	sadd.s32 s3, s2  }
0x8d: {  	s2 =	sadd.s32 s2, s14  }
0x8e: {  	[smem:$0x3FC0] =	sst s2  }
0x8f: {  	_ = 	snop  }
0x90: {  	s2 =	sld [smem:$0x3FD0];
	_ =	sdelay $0x2  }
0x91: {  	s15 =	simm.s32 $0xA;
	s4 =	simm.s32 $0x10  }
0x92: {  	[smem:s4], [sflag:s15] =	dma.local [hbm:s2], $0x1  }
0x93: {  	_ =	swait.eq [sflag:s15], $0x1  }
0x94: {  	[sflag:s15] =	ssyncset.done $0x0  }
0x95: {  	[sflag:s15] =	ssyncadd.s32 $0xFFFFFFFF  }
0x96: {  	s16 =	sld [smem:$0x10];
	(tm) =	ssettm $0x1  }
0x97: {  	s17 =	sld [smem:$0x3FFB];
	_ =	sdelay $0x3  }
0x98: {  	_ =	strace s17  }
0x99: {  	s3 =	sld [smem:$0x3FFC];
	_ =	sdelay $0x3  }
0x9a: {  	_ =	strace s3  }
0x9b: {  	s3 =	sld [smem:$0x3FFD];
	_ =	sdelay $0x3  }
0x9c: {  	_ =	strace s3  }
0x9d: {  	_ =	strace $0x8FFFFFFF  }
0x9e: {  	s18 =	sld [smem:$0x3FDB];
	_ =	sdelay $0x1  }
0x9f: {  	s19 =	simm.s32 $_scs_section_size  }
0xa0: {  	s5 =	simm.s32 $_size__tile_overlayer_lowered;
	s6 =	simm.s32 $_tile_overlayer_lowered  }
0xa1: {  	s22 =	simm.s32 $0x1BFF;
	s21 =	sshll.u32 s6, $0x1;
	s3 =	sadd.s32 s19, s18  }
0xa2: {  	s7 =	simm.s32 $0x0;
	s20 =	sshll.u32 s5, $0x1;
	s5 =	sadd.s32 s21, s3  }
0xa3: {  	[timem:s7], [sflag:s22] =	dma.local [hbm:s5], s20  }
0xa4: {  	_ =	swait.ge [sflag:s22], s20  }
0xa5: {  	s4 =	ssub.s32 $0x0, s20;
	[sflag:s22] =	ssyncset.done $0x0  }
0xa6: {  	[sflag:s22] =	ssyncadd.s32 s4;
	_ =	sdelay $0x1  }
0xa7: {  	s23 =	simm.s32 $0x1B8B  }
0xa8: {  	_ =	swait.ge [sflag:s23], $0x1  }
0xa9: {  	[sflag:s23] =	ssyncset.done $0x0  }
0xaa: {  	s25 =	simm.s32 $0x1B8E;
	s24 =	sld [smem:$0x3FFE];
	[sflag:s23] =	ssyncadd.s32 $0xFFFFFFFF  }
0xab: {  	s26 =	simm.s32 $execute0_lowered;
	[smem:$0x3FD2] =	sst s25  }
0xac: {  	s5 =	sshll.u32 s26, $0x1;
	_ =	strace $0x8000004C;
	[dreg:$0x1] =	wrdreg $0xFFFFFFFF  }
0xad: {  	s28 =	simm.s32 $_size_execute0_lowered;
	s3 =	sadd.s32 s3, s5;
	[dreg:$0x0] =	wrdreg $0x0  }
0xae: {  	s5 =	sshll.u32 s28, $0x1;
	[dreg:$0x2] =	wrdreg s3  }
0xaf: {  	[dreg:$0x3] =	wrdreg s5  }
0xb0: {  	[dreg:$0x4] =	wrdreg $0xC0  }
0xb1: {  	_ =	task [dreg:s7], $0x5FFFF  }
0xb2: {  	[dreg:$0x1] =	wrdreg $0xFFFFFFFF  }
0xb3: {  	[dreg:$0x0] =	wrdreg $0x60  }
0xb4: {  	[dreg:$0x2] =	wrdreg s24  }
0xb5: {  	[dreg:$0x3] =	wrdreg s16  }
0xb6: {  	[dreg:$0x4] =	wrdreg $0xB2200  }
0xb7: {  	[dreg:$0x5] =	wrdreg $0x9  }
0xb8: {  	_ =	task.clear_ibuf [dreg:s7], $0x6FFFF;
	_ =	strace $0x9000004C  }
0xb9: {  	s29 =	simm.s32 $0x9;
	_ =	strace $0x8000004E  }
0xba: {  	_ =	swait.ge [sflag:s29], $0x1  }
0xbb: {  	[sflag:s29] =	ssyncadd.s32 $0xFFFFFFFF  }
0xbc: {  	_ =	strace $0x9000004E  }
0xbd: {  	_ =	sfence  }
0xbe: {  	s30 =	sld [smem:$0x0];
	_ =	sdelay $0x2  }
0xbf: {  	s31 =	sshll.u32 s1, $0xD;
	s1 =	sshrl.u32 s1, $0x2  }
0xc0: {  	s3 =	sand.u32 $0x4000, s31;
	s1 =	sadd.s32 s1, s30  }
0xc1: {  	s0 =	sor.u32 s3, s0;
	s1 =	sshll.u32 s1, $0x11  }
0xc2: {  	s0 =	sor.u32 s1, s0  }
0xc3: {  	s0 =	sadd.s32 $0x8F2B, s0  }
0xc4: {  	[sflag:s0] =	ssyncadd.remote.s32 $0x1  }
0xc5: {  	_ =	sfence.sel $0xFFFF  }
0xc6: {  	[dreg:$0x0] =	wrdreg $0xFFFFFFFF;
	(pc) =	sbr.abs _section_cstart, $3  }
0xc7: {  	[dreg:$0x1] =	wrdreg $0xFFFFFFFF  }
0xc8: {  	_ =	task.clear_ibuf [dreg:s7], $0x2FFFF;
	_ =	strace $0x9FFFFFFF  }
0xc9: {  	(tm) =	ssettm $0x7FFFFFFF  }
tec
execute0_lowered:
.L_overlay_start_1:
0x0: {  	(tag) =	ssettag $0x1  }
0x1: {  	s0 =	rddreg [dreg:$0x0]  }
0x2: {  	s3 =	rddreg [dreg:$0x2];
	s1 =	srdreg.scid  }
0x3: {  	s8 =	stileid.u32;
	s4 =	simm.s32 $0x0;
	s12 =	simm.s32 $0x7  }
0x4: {  	s13 =	simm.s32 $0x2710;
	s14 =	simm.s32 $0x80;
	s15 =	simm.s32 $0x4E20  }
0x5: {  	s16 =	simm.s32 $0x6E20;
	s17 =	simm.s32 $0x1;
	s19 =	simm.s32 $0x8E20  }
0x6: {  	s20 =	simm.s32 $0x2;
	s22 =	simm.s32 $0x4;
	s24 =	simm.s32 $0x3  }
0x7: {  	s28 =	simm.s32 $0x200;
	s29 =	simm.s32 $0x6;
	s30 =	simm.s32 $0x10  }
0x8: {  	s31 =	simm.s32 $0x2700;
	s1 =	sand.u32 $0x1, s1;
	s2 =	sshll.u32 s8, $0x1  }
0x9: {  	s6 =	smul.u32 $0xA000, s8;
	[smem:$0x7FF] =	sst s4;
	s5 =	sadd.s32 $0x15A00, s0  }
0xa: {  	s8 =	sshll.u32 s8, $0x6;
	s2 =	sor.u32 s1, s2;
	s7 =	smul.u32 $0xA0000, s1  }
0xb: {  	_ =	strace $0x8000004D;
	s1 =	ssub.s32 $0x2, s1;
	s2 =	smul.u32 $0x4E2, s2  }
0xc: {  	s26 =	sshrl.u32 s1, $0x1;
	s11 =	sadd.s32 s6, s3;
	s7 =	sadd.s32 s6, s7  }
.Ltmp0:
0xd: {  	s1 =	ssub.s32 s1, s26;
	s6 =	sor.u32 $0x1C07, s8;
	(pc) =	sbr.rel .LBB2_1-.Ltmp0, $4  }
0xe: {  	s11 =	sshrl.u32 s11, $0x3;
	s26 =	simm.s32 $0x5;
	s2 =	sadd.s32 s2, s0  }
0xf: {  	s7 =	sshrl.u32 s7, $0x3;
	s10 =	smax.u32 s1, $0x1;
	s1 =	simm.s32 $0x4E10  }
0x10: {  	s0 =	sadd.s32 s7, s0;
	s7 =	sadd.s32 $0x1E00, s2;
	s8 =	sadd.s32 $0xBC00, s2  }
0x11: {  	s2 =	simm.s32 $0x0;
	s9 =	sadd.s32 $0x29A00, s0;
	s0 =	simm.s32 $0xAE20  }
.LBB2_4:
0x12: {  	_ =	swait.ge [sflag:s24], $0x2000  }
0x13: {  	[sflag:s24] =	ssyncset.done $0x0  }
0x14: {  	[sflag:s24] =	ssyncadd.s32 $0xFFFFE000  }
0x15: {  	[spmem:s3] =	stream.indirect.scatter.add.f32 [tilespmem:s19], [sflag:$0x6], $0x40, s23, s14, $0xb8;
	[tilespmem:$0x15220] =	vst v63  }
0x16: {  	_ =	swait.ge [sflag:s26], $0x2000  }
0x17: {  	[sflag:s26] =	ssyncset.done $0x0  }
0x18: {  	[sflag:s26] =	ssyncadd.s32 $0xFFFFE000  }
0x19: {  	_ =	swait.ge [sflag:s29], $0x2000  }
0x1a: {  	[sflag:s29] =	ssyncset.done $0x0  }
0x1b: {  	[sflag:s29] =	ssyncadd.s32 $0xFFFFE000  }
0x1c: {  	[tilespmem:s0], [sflag:$0x1] =	stream.indirect.gather [hbm4b:s5+s30], $0x40, s31, s30, $0xb8;
	[tilespmem:$0x15220] =	vst v63  }
0x1d: {  	_ =	swait.ge [sflag:s17], $0x400  }
0x1e: {  	[sflag:s17] =	ssyncset.done $0x0  }
0x1f: {  	[sflag:s17] =	ssyncadd.s32 $0xFFFFFC00  }
0x20: {  	[spmem:s3] =	stream.indirect.scatter.add.f32 [tilespmem:s0], [sflag:$0x7], $0x40, s1, s30, $0xb8;
	[tilespmem:$0x15220] =	vst v63  }
0x21: {  	_ =	swait.ge [sflag:s12], $0x400  }
0x22: {  	s2 =	sadd.s32 $0x1, s2;
	[sflag:s12] =	ssyncset.done $0x0  }
0x23: {  	p0 =	sne.s32 s2, s10;
	[sflag:s12] =	ssyncadd.s32 $0xFFFFFC00  }
.Ltmp1:
0x24: {  	[bflag:$0x0] =	sbarrier.arrive $0xFFFF;
	(pc) =	sbr.rel @!p0 .LBB2_5-.Ltmp1, $4  }
0x25: {  	[hbm:s9], [sflag:s6] =	dma.local [spmem:s11], $0x1400  }
0x26: {  	_ =	swait.ge [sflag:s12], $0x1400  }
0x27: {  	[sflag:s12] =	ssyncset.done $0x0  }
0x28: {  	[sflag:s12] =	ssyncadd.s32 $0xFFFFEC00  }
.LBB2_1:
0x29: {  	s18 =	rddreg [dreg:$0x1]  }
0x2a: {  	[spmem:s11], [sflag:s6] =	dma.local [hbm:s18], $0x1400  }
0x2b: {  	_ =	swait.ge [sflag:s12], $0x1400  }
0x2c: {  	[sflag:s12] =	ssyncset.done $0x0  }
0x2d: {  	[sflag:s12] =	ssyncadd.s32 $0xFFFFEC00  }
0x2e: {  	[bflag:$0x0] =	sbarrier.arrive $0xFFFF  }
0x2f: {  	[tilespmem:s4], [sflag:$0x7] =	stream.linear.gather [hbm4b:s7+s4], $0x2710, $0x38;
	[tilespmem:$0x15220] =	vst v63  }
0x30: {  	_ =	swait.ge [sflag:s12], $0x2710  }
0x31: {  	[sflag:s12] =	ssyncset.done $0x0  }
0x32: {  	[sflag:s12] =	ssyncadd.s32 $0xFFFFD8F0  }
0x33: {  	[tilespmem:s13], [sflag:$0x7] =	stream.linear.gather [hbm4b:s8+s4], $0x2710, $0x38;
	[tilespmem:$0x15220] =	vst v63  }
0x34: {  	_ =	swait.ge [sflag:s12], $0x2710  }
0x35: {  	[sflag:s12] =	ssyncset.done $0x0  }
0x36: {  	[sflag:s12] =	ssyncadd.s32 $0xFFFFD8F0  }
0x37: {  	[tilespmem:s15], [sflag:$0x1] =	stream.indirect.gather [hbm4b:s5+s14], $0x40, s4, s14, $0xb8;
	[tilespmem:$0x15220] =	vst v63  }
0x38: {  	_ = 	snop  }
0x39: {  	[tilespmem:s16], [sflag:$0x2] =	stream.indirect.gather [hbm4b:s5+s14], $0x40, s14, s14, $0xb8;
	[tilespmem:$0x15220] =	vst v63  }
0x3a: {  	_ =	swait.ge [sflag:s17], $0x2000  }
0x3b: {  	[sflag:s17] =	ssyncset.done $0x0  }
0x3c: {  	[sflag:s17] =	ssyncadd.s32 $0xFFFFE000  }
0x3d: {  	[spmem:s3] =	stream.indirect.scatter.add.f32 [tilespmem:s15], [sflag:$0x4], $0x40, s13, s14, $0xb8;
	[tilespmem:$0x15220] =	vst v63  }
0x3e: {  	s25 =	simm.s32 $0x100  }
0x3f: {  	[tilespmem:s19], [sflag:$0x3] =	stream.indirect.gather [hbm4b:s5+s14], $0x40, s25, s14, $0xb8;
	[tilespmem:$0x15220] =	vst v63  }
0x40: {  	_ =	swait.ge [sflag:s20], $0x2000  }
0x41: {  	[sflag:s20] =	ssyncset.done $0x0  }
0x42: {  	s21 =	simm.s32 $0x2790;
	[sflag:s20] =	ssyncadd.s32 $0xFFFFE000  }
0x43: {  	[spmem:s3] =	stream.indirect.scatter.add.f32 [tilespmem:s16], [sflag:$0x5], $0x40, s21, s14, $0xb8;
	[tilespmem:$0x15220] =	vst v63  }
0x44: {  	_ =	swait.ge [sflag:s22], $0x2000  }
0x45: {  	[sflag:s22] =	ssyncset.done $0x0  }
0x46: {  	s23 =	simm.s32 $0x180;
	[sflag:s22] =	ssyncadd.s32 $0xFFFFE000  }
0x47: {  	[tilespmem:s15], [sflag:$0x1] =	stream.indirect.gather [hbm4b:s5+s14], $0x40, s23, s14, $0xb8;
	[tilespmem:$0x15220] =	vst v63  }
0x48: {  	_ =	swait.ge [sflag:s24], $0x2000  }
0x49: {  	[sflag:s24] =	ssyncset.done $0x0  }
0x4a: {  	s25 =	simm.s32 $0x2810;
	[sflag:s24] =	ssyncadd.s32 $0xFFFFE000  }
0x4b: {  	[spmem:s3] =	stream.indirect.scatter.add.f32 [tilespmem:s19], [sflag:$0x6], $0x40, s25, s14, $0xb8;
	[tilespmem:$0x15220] =	vst v63  }
0x4c: {  	_ =	swait.ge [sflag:s26], $0x2000  }
0x4d: {  	[sflag:s26] =	ssyncset.done $0x0  }
0x4e: {  	s18 =	simm.s32 $0x0;
	[sflag:s26] =	ssyncadd.s32 $0xFFFFE000  }
0x4f: {  	[tilespmem:s16], [sflag:$0x2] =	stream.indirect.gather [hbm4b:s5+s14], $0x40, s28, s14, $0xb8;
	[tilespmem:$0x15220] =	vst v63  }
.LBB2_2:
0x50: {  	_ =	swait.ge [sflag:s17], $0x2000  }
0x51: {  	s21 =	sshra.s32 s18, $0x2;
	[sflag:s17] =	ssyncset.done $0x0  }
0x52: {  	s23 =	sadd.s32 $0x2890, s21;
	[sflag:s17] =	ssyncadd.s32 $0xFFFFE000  }
0x53: {  	[spmem:s3] =	stream.indirect.scatter.add.f32 [tilespmem:s15], [sflag:$0x4], $0x40, s23, s14, $0xb8;
	[tilespmem:$0x15220] =	vst v63  }
0x54: {  	_ =	swait.ge [sflag:s29], $0x2000  }
0x55: {  	[sflag:s29] =	ssyncset.done $0x0  }
0x56: {  	s25 =	sadd.s32 $0x280, s21;
	[sflag:s29] =	ssyncadd.s32 $0xFFFFE000  }
0x57: {  	[tilespmem:s19], [sflag:$0x3] =	stream.indirect.gather [hbm4b:s5+s14], $0x40, s25, s14, $0xb8;
	[tilespmem:$0x15220] =	vst v63  }
0x58: {  	_ =	swait.ge [sflag:s20], $0x2000  }
0x59: {  	p0 =	seq.s32 s18, $0x9000;
	[sflag:s20] =	ssyncset.done $0x0  }
.Ltmp2:
0x5a: {  	s25 =	sadd.s32 $0x2910, s21;
	[sflag:s20] =	ssyncadd.s32 $0xFFFFE000;
	(pc) =	sbr.rel @p0 .LBB2_4-.Ltmp2, $4  }
0x5b: {  	[spmem:s3] =	stream.indirect.scatter.add.f32 [tilespmem:s16], [sflag:$0x5], $0x40, s25, s14, $0xb8;
	[tilespmem:$0x15220] =	vst v63  }
0x5c: {  	_ =	swait.ge [sflag:s22], $0x2000  }
0x5d: {  	[sflag:s22] =	ssyncset.done $0x0  }
0x5e: {  	s23 =	sadd.s32 $0x2990, s21;
	[sflag:s22] =	ssyncadd.s32 $0xFFFFE000  }
0x5f: {  	s25 =	sadd.s32 $0x300, s21  }
0x60: {  	[tilespmem:s15], [sflag:$0x1] =	stream.indirect.gather [hbm4b:s5+s14], $0x40, s25, s14, $0xb8;
	[tilespmem:$0x15220] =	vst v63  }
0x61: {  	_ =	swait.ge [sflag:s24], $0x2000  }
0x62: {  	[sflag:s24] =	ssyncset.done $0x0  }
0x63: {  	[sflag:s24] =	ssyncadd.s32 $0xFFFFE000  }
0x64: {  	[spmem:s3] =	stream.indirect.scatter.add.f32 [tilespmem:s19], [sflag:$0x6], $0x40, s23, s14, $0xb8;
	[tilespmem:$0x15220] =	vst v63  }
.Ltmp3:
0x65: {  	_ = 	snop;
	(pc) =	sbr.rel .LBB2_2-.Ltmp3, $4  }
0x66: {  	_ =	swait.ge [sflag:s26], $0x2000  }
0x67: {  	[sflag:s26] =	ssyncset.done $0x0  }
0x68: {  	s18 =	sadd.s32 $0x600, s18;
	s25 =	sadd.s32 $0x380, s21;
	[sflag:s26] =	ssyncadd.s32 $0xFFFFE000  }
0x69: {  	[tilespmem:s16], [sflag:$0x2] =	stream.indirect.gather [hbm4b:s5+s14], $0x40, s25, s14, $0xb8;
	[tilespmem:$0x15220] =	vst v63  }
.LBB2_5:
0x6a: {  	_ =	sfence.sel $0x180000  }
0x6b: {  	[bflag:$0x0] =	sbarrier.arrive $0xFFFF  }
0x6c: {  	_ =	strace $0x9000004D  }
0x6d: {  	s0 =	stileid.u32;
	[bflag:$0x2] =	sbarrier.arrive $0xFFFF  }
0x6e: {  	p0 =	sne.s32 s0, $0x0;
	s0 =	rddreg [dreg:$0x3]  }
0x6f: {  	s0 =	sadd.s32 @!p0 $0x100000, s0  }
0x70: {  	[sflag:s0] =	ssyncadd.tile.s32 @!p0 $0x1;
	_ =	shalt  }
.Lfunc_end2:
_tile_overlayer_lowered:
.L_overlay_start_2:
0x71: {  	(tag) =	ssettag $0x2  }
0x72: {  	s0 =	rddreg [dreg:$0x0];
	s2 =	stileid.u32  }
0x73: {  	s1 =	rddreg [dreg:$0x1];
	p0 =	sne.s32 s2, $0x0  }
0x74: {  	s3 =	rddreg [dreg:$0x2];
	[bflag:$0x3] =	sbarrier.arrive $0xFFFF;
	s2 =	simm.s32 @!p0 $0x1C07  }
0x75: {  	[timem:s3], [sflag:s2] =	dma.local @!p0 [hbm:s0], s1  }
0x76: {  	s0 =	simm.s32 @!p0 $0x7  }
0x77: {  	_ =	swait.ge @!p0 [sflag:s0], s1  }
0x78: {  	s1 =	ssub.s32 @!p0 $0x0, s1;
	[sflag:s0] =	ssyncset.done @!p0 $0x0  }
0x79: {  	[sflag:s0] =	ssyncadd.s32 @!p0 s1  }
0x7a: {  	[bflag:$0x3] =	sbarrier.arrive $0xFFFF  }
0x7b: {  	_ =	shalt  }

// kernel: kernel.8.cloned.1.call-start
scs
__scs_entry_jumppad:
0x0: {  	(pc) =	sbr.rel $0x88, $3  }
0x1: {  	(tag) =	ssettag $0x0;
	lr =	simm.s32 $0x1  }
0x2: {  	[smem:$0x3F99] =	sst lr;
	_ =	strace $0xD0000000  }
0x3: {  	_ = 	snop  }
0x4: {  	_ = 	snop  }
0x5: {  	_ = 	snop  }
0x6: {  	_ = 	snop  }
0x7: {  	_ = 	snop  }
__scs_overlays_trampoline_lowered:
0x8: {  	[smem:$0x3FA8] =	sst s0  }
0x9: {  	[smem:$0x3FA9] =	sst s1  }
0xa: {  	[smem:$0x3FAA] =	sst s2  }
0xb: {  	[smem:$0x3FAB] =	sst s3  }
0xc: {  	[smem:$0x3FAC] =	sst s4  }
0xd: {  	[smem:$0x3FAD] =	sst s5  }
0xe: {  	[smem:$0x3FAE] =	sst s6  }
0xf: {  	[smem:$0x3FAF] =	sst s7  }
0x10: {  	[smem:$0x3FB0] =	sst s8  }
0x11: {  	[smem:$0x3FB1] =	sst s9;
	s0 =	simm.s32 @!p0 $0x0  }
0x12: {  	s1 =	sld [smem:$0x3F97];
	s0 =	simm.s32 @p0 $0x1  }
0x13: {  	[smem:$0x3FB2] =	sst s0;
	s0 =	simm.s32 @!p1 $0x0  }
0x14: {  	s2 =	sld [smem:$0x3F96];
	s0 =	simm.s32 @p1 $0x1  }
0x15: {  	[smem:$0x3FB3] =	sst s0;
	s0 =	simm.s32 @!p2 $0x0  }
0x16: {  	s3 =	sld [smem:$0x3FDB];
	s0 =	simm.s32 @p2 $0x1  }
0x17: {  	s4 =	simm.s32 $0x1BF5;
	[smem:$0x3FB5] =	sst s0  }
0x18: {  	s0 =	sld [smem:$0x3F98];
	_ =	swait.ge [sflag:s4], $0x0  }
0x19: {  	s7 =	sld [smem:$0x3F99]  }
0x1a: {  	s8 =	sadd.s32 $0xFFFFE003, lr  }
0x1b: {  	s9 =	sadd.s32 $0xFFFFFEF7, lr;
	s5 =	simm.s32 $0xFFFFFFFF;
	p2 =	slt.u32 s8, $0xFFFFF086  }
0x1c: {  	p1 =	slt.u32 s9, $0xF7A;
	s5 =	simm.s32 @!p2 $0x0  }
0x1d: {  	s5 =	simm.s32 @p1 $0x1;
	p0 =	seq.s32 s7, s2  }
0x1e: {  	s7 =	smul.u32 @!p0 $0xF7A, s2;
	p2 =	seq.s32 @!p0 s5, $0x0  }
0x1f: {  	s9 =	smul.u32 $0xF7A, s1;
	s8 =	simm.s32 @!p0 $0x1BF5;
	p2 =	por !p2, p0  }
0x20: {  	[sflag:s8] =	ssyncset.s32 @!p0 $0xFFFFF086;
	s6 =	sadd.s32 @!p0 s3, s7;
	s7 =	simm.s32 @!p0 $0x108  }
0x21: {  	s3 =	sadd.s32 s3, s9;
	s6 =	sadd.s32 @!p0 $0x88, s6;
	s7 =	simm.s32 @p2 $0x1082  }
0x22: {  	[simem:s7], [sflag:s8] =	dma.local @!p0 [hbm:s6], $0xF7A  }
0x23: {  	s9 =	sor.u32 $0xD0000000, s2;
	s6 =	simm.s32 $0x108;
	_ =	swait.ge @!p0 [sflag:s8], $0x0  }
0x24: {  	s3 =	sadd.s32 $0x88, s3;
	s6 =	simm.s32 @!p1 $0x1082;
	[sflag:s4] =	ssyncset.s32 $0xFFFFF086  }
0x25: {  	[simem:s6], [sflag:s4] =	dma.local [hbm:s3], $0xF7A  }
0x26: {  	[smem:$0x3F99] =	sst s1;
	(tag) =	ssettag s2;
	_ =	strace s9  }
0x27: {  	s1 =	sld [smem:$0x3FA9]  }
0x28: {  	s2 =	sld [smem:$0x3FAA]  }
0x29: {  	s4 =	sld [smem:$0x3FAC]  }
0x2a: {  	p0 =	seq.s32 s5, $0x0;
	s5 =	sld [smem:$0x3FAD]  }
0x2b: {  	s6 =	sld [smem:$0x3FAE]  }
0x2c: {  	s7 =	sld [smem:$0x3FAF]  }
0x2d: {  	s3 =	simm.s32 $0x108;
	s8 =	sld [smem:$0x3FB0]  }
0x2e: {  	s3 =	simm.s32 @!p0 $0x1082;
	s9 =	sld [smem:$0x3FB1]  }
0x2f: {  	lr =	sadd.s32 s0, s3;
	s0 =	sld [smem:$0x3FA8]  }
0x30: {  	s3 =	sld [smem:$0x3FAB]  }
0x31: {  	[smem:$0x3FB4] =	sst s10  }
0x32: {  	s10 =	sld [smem:$0x3FB2];
	_ =	sdelay $0x3  }
0x33: {  	p0 =	seq.s32 s10, $0x1;
	s10 =	sld [smem:$0x3FB4];
	_ =	sdelay $0x3  }
0x34: {  	[smem:$0x3FB4] =	sst s10  }
0x35: {  	s10 =	sld [smem:$0x3FB3];
	_ =	sdelay $0x3  }
0x36: {  	p1 =	seq.s32 s10, $0x1;
	s10 =	sld [smem:$0x3FB4];
	_ =	sdelay $0x3  }
0x37: {  	[smem:$0x3FB4] =	sst s10  }
0x38: {  	s10 =	sld [smem:$0x3FB5]  }
0x39: {  	_ = 	snop;
	(pc) =	sbr.ind lr, $3  }
0x3a: {  	_ = 	snop  }
0x3b: {  	_ = 	snop  }
0x3c: {  	p2 =	seq.s32 s10, $0x1;
	s10 =	sld [smem:$0x3FB4]  }
0x3d: {  	_ =	shalt  }
0x3e: {  	_ =	shalt  }
0x3f: {  	_ =	shalt  }
0x40: {  	_ =	shalt  }
0x41: {  	_ =	shalt  }
0x42: {  	_ =	shalt  }
0x43: {  	_ =	shalt  }
0x44: {  	_ =	shalt  }
0x45: {  	_ =	shalt  }
0x46: {  	_ =	shalt  }
0x47: {  	_ =	shalt  }
0x48: {  	_ =	shalt  }
0x49: {  	_ =	shalt  }
0x4a: {  	_ =	shalt  }
0x4b: {  	_ =	shalt  }
0x4c: {  	_ =	shalt  }
0x4d: {  	_ =	shalt  }
0x4e: {  	_ =	shalt  }
0x4f: {  	_ =	shalt  }
0x50: {  	_ =	shalt  }
0x51: {  	_ =	shalt  }
0x52: {  	_ =	shalt  }
0x53: {  	_ =	shalt  }
0x54: {  	_ =	shalt  }
0x55: {  	_ =	shalt  }
0x56: {  	_ =	shalt  }
0x57: {  	_ =	shalt  }
0x58: {  	_ =	shalt  }
0x59: {  	_ =	shalt  }
0x5a: {  	_ =	shalt  }
0x5b: {  	_ =	shalt  }
0x5c: {  	_ =	shalt  }
0x5d: {  	_ =	shalt  }
0x5e: {  	_ =	shalt  }
0x5f: {  	_ =	shalt  }
0x60: {  	_ =	shalt  }
0x61: {  	_ =	shalt  }
0x62: {  	_ =	shalt  }
0x63: {  	_ =	shalt  }
0x64: {  	_ =	shalt  }
0x65: {  	_ =	shalt  }
0x66: {  	_ =	shalt  }
0x67: {  	_ =	shalt  }
0x68: {  	_ =	shalt  }
0x69: {  	_ =	shalt  }
0x6a: {  	_ =	shalt  }
0x6b: {  	_ =	shalt  }
0x6c: {  	_ =	shalt  }
0x6d: {  	_ =	shalt  }
0x6e: {  	_ =	shalt  }
0x6f: {  	_ =	shalt  }
0x70: {  	_ =	shalt  }
0x71: {  	_ =	shalt  }
0x72: {  	_ =	shalt  }
0x73: {  	_ =	shalt  }
0x74: {  	_ =	shalt  }
0x75: {  	_ =	shalt  }
0x76: {  	_ =	shalt  }
0x77: {  	_ =	shalt  }
0x78: {  	_ =	shalt  }
0x79: {  	_ =	shalt  }
0x7a: {  	_ =	shalt  }
0x7b: {  	_ =	shalt  }
0x7c: {  	_ =	shalt  }
0x7d: {  	_ =	shalt  }
0x7e: {  	_ =	shalt  }
0x7f: {  	_ =	shalt  }
0x80: {  	_ =	shalt  }
0x81: {  	_ =	shalt  }
0x82: {  	_ =	shalt  }
0x83: {  	_ =	shalt  }
0x84: {  	_ =	shalt  }
0x85: {  	_ =	shalt  }
0x86: {  	_ =	shalt  }
0x87: {  	_ =	shalt  }
.Lfunc_end0:
.L_simem_size_0:
called_computation_lowered:
.L_overlay_start_0:
0x88: {  	s2 =	sld [smem:$0x3FD9]  }
0x89: {  	s3 =	sld [smem:$0x3FFE];
	_ =	sdelay $0x1  }
0x8a: {  	s1 =	srdreg.scid  }
0x8b: {  	s0 =	sand.u32 $0x1, s1  }
0x8c: {  	s14 =	sshll.u32 s0, $0xA;
	s2 =	sadd.s32 s3, s2  }
0x8d: {  	s2 =	sadd.s32 s2, s14  }
0x8e: {  	[smem:$0x3FC0] =	sst s2  }
0x8f: {  	_ = 	snop  }
0x90: {  	s2 =	sld [smem:$0x3FD0];
	_ =	sdelay $0x2  }
0x91: {  	s15 =	simm.s32 $0xA;
	s4 =	simm.s32 $0x10  }
0x92: {  	[smem:s4], [sflag:s15] =	dma.local [hbm:s2], $0x1  }
0x93: {  	_ =	swait.eq [sflag:s15], $0x1  }
0x94: {  	[sflag:s15] =	ssyncset.done $0x0  }
0x95: {  	s16 =	sld [smem:$0x10];
	[sflag:s15] =	ssyncadd.s32 $0xFFFFFFFF  }
0x96: {  	s17 =	sld [smem:$0x11];
	(tm) =	ssettm $0x1  }
0x97: {  	s18 =	sld [smem:$0x3FFB];
	_ =	sdelay $0x3  }
0x98: {  	_ =	strace s18  }
0x99: {  	s4 =	sld [smem:$0x3FFC];
	_ =	sdelay $0x3  }
0x9a: {  	_ =	strace s4  }
0x9b: {  	s4 =	sld [smem:$0x3FFD];
	_ =	sdelay $0x3  }
0x9c: {  	_ =	strace s4  }
0x9d: {  	_ =	strace $0x8FFFFFFF  }
0x9e: {  	s19 =	sld [smem:$0x3FDB];
	_ =	sdelay $0x1  }
0x9f: {  	s5 =	simm.s32 $_scs_section_size  }
0xa0: {  	s6 =	simm.s32 $_size__tile_overlayer_lowered;
	s7 =	simm.s32 $_tile_overlayer_lowered  }
0xa1: {  	s22 =	simm.s32 $0x1BFF;
	s21 =	sshll.u32 s7, $0x1;
	s4 =	sadd.s32 s5, s19  }
0xa2: {  	s8 =	simm.s32 $0x0;
	s20 =	sshll.u32 s6, $0x1;
	s6 =	sadd.s32 s21, s4  }
0xa3: {  	[timem:s8], [sflag:s22] =	dma.local [hbm:s6], s20  }
0xa4: {  	_ =	swait.ge [sflag:s22], s20  }
0xa5: {  	s5 =	ssub.s32 $0x0, s20;
	[sflag:s22] =	ssyncset.done $0x0  }
0xa6: {  	[sflag:s22] =	ssyncadd.s32 s5;
	_ =	sdelay $0x1  }
0xa7: {  	s23 =	simm.s32 $0x1B8B  }
0xa8: {  	_ =	swait.ge [sflag:s23], $0x1  }
0xa9: {  	[sflag:s23] =	ssyncset.done $0x0  }
0xaa: {  	s25 =	simm.s32 $0x1B8E;
	s24 =	sld [smem:$0x3FFE];
	[sflag:s23] =	ssyncadd.s32 $0xFFFFFFFF  }
0xab: {  	s26 =	simm.s32 $execute0_lowered;
	[smem:$0x3FD2] =	sst s25  }
0xac: {  	s6 =	sshll.u32 s26, $0x1;
	_ =	strace $0x80000046;
	[dreg:$0x1] =	wrdreg $0xFFFFFFFF  }
0xad: {  	s28 =	simm.s32 $_size_execute0_lowered;
	s4 =	sadd.s32 s4, s6;
	[dreg:$0x0] =	wrdreg $0x0  }
0xae: {  	s6 =	sshll.u32 s28, $0x1;
	[dreg:$0x2] =	wrdreg s4  }
0xaf: {  	[dreg:$0x3] =	wrdreg s6  }
0xb0: {  	[dreg:$0x4] =	wrdreg $0xC0  }
0xb1: {  	_ =	task [dreg:s8], $0x5FFFF  }
0xb2: {  	[dreg:$0x1] =	wrdreg $0xFFFFFFFF  }
0xb3: {  	[dreg:$0x0] =	wrdreg $0x60  }
0xb4: {  	[dreg:$0x2] =	wrdreg s24  }
0xb5: {  	[dreg:$0x3] =	wrdreg s17  }
0xb6: {  	[dreg:$0x4] =	wrdreg s16  }
0xb7: {  	[dreg:$0x5] =	wrdreg $0x9  }
0xb8: {  	_ =	task.clear_ibuf [dreg:s8], $0x6FFFF;
	_ =	strace $0x90000046  }
0xb9: {  	s29 =	simm.s32 $0x9;
	_ =	strace $0x80000048  }
0xba: {  	_ =	swait.ge [sflag:s29], $0x1  }
0xbb: {  	[sflag:s29] =	ssyncadd.s32 $0xFFFFFFFF  }
0xbc: {  	_ =	strace $0x90000048  }
0xbd: {  	_ =	sfence  }
0xbe: {  	s30 =	sld [smem:$0x0];
	_ =	sdelay $0x2  }
0xbf: {  	s31 =	sshll.u32 s1, $0xD;
	s1 =	sshrl.u32 s1, $0x2  }
0xc0: {  	s3 =	sand.u32 $0x4000, s31;
	s1 =	sadd.s32 s1, s30  }
0xc1: {  	s0 =	sor.u32 s3, s0;
	s1 =	sshll.u32 s1, $0x11  }
0xc2: {  	s0 =	sor.u32 s1, s0  }
0xc3: {  	s0 =	sadd.s32 $0x8F2B, s0  }
0xc4: {  	[sflag:s0] =	ssyncadd.remote.s32 $0x1  }
0xc5: {  	_ =	sfence.sel $0xFFFF  }
0xc6: {  	[dreg:$0x0] =	wrdreg $0xFFFFFFFF;
	(pc) =	sbr.abs _section_cstart, $3  }
0xc7: {  	[dreg:$0x1] =	wrdreg $0xFFFFFFFF  }
0xc8: {  	_ =	task.clear_ibuf [dreg:s8], $0x2FFFF;
	_ =	strace $0x9FFFFFFF  }
0xc9: {  	(tm) =	ssettm $0x7FFFFFFF  }
tec
execute0_lowered:
.L_overlay_start_1:
0x0: {  	(tag) =	ssettag $0x1  }
0x1: {  	s4 =	rddreg [dreg:$0x0]  }
0x2: {  	s2 =	rddreg [dreg:$0x1]  }
0x3: {  	s1 =	srdreg.scid;
	s0 =	stileid.u32  }
0x4: {  	s5 =	rddreg [dreg:$0x2];
	s10 =	simm.s32 $0x400;
	s11 =	simm.s32 $0x0  }
0x5: {  	s6 =	sand.u32 $0x1, s1;
	s3 =	sshll.u32 s0, $0x1;
	s1 =	rddreg [dreg:$0x3]  }
0x6: {  	s8 =	sshrl.u32 s0, $0x2;
	s7 =	sor.u32 s6, s3;
	s3 =	simm.s32 $0x0  }
0x7: {  	s8 =	smul.u32 $0x14000, s8;
	s6 =	ssub.s32 $0x2, s6;
	s9 =	sshll.u32 s7, $0x7  }
0x8: {  	[smem:$0x7FF] =	sst s3;
	s7 =	smul.u32 $0x4E2, s7;
	s31 =	sshrl.u32 s6, $0x1  }
0x9: {  	s9 =	sand.u32 $0x380, s9;
	_ =	strace $0x80000047;
	s6 =	ssub.s32 s6, s31  }
0xa: {  	s8 =	sor.u32 s8, s9;
	s4 =	sadd.s32 s7, s4;
	s6 =	smax.u32 s6, $0x1  }
0xb: {  	s7 =	simm.s32 $0x2780;
	s9 =	simm.s32 $0x80;
	s8 =	sshrl.u32 s8, $0x3  }
0xc: {  	v0 =	vimm.f32 $1.000000000e+00;
	s4 =	sadd.s32 $0xBC00, s4;
	s5 =	sadd.s32 s5, s8;
	s8 =	simm.s32 $0x1  }
.LBB2_1:
0xd: {  	[tilespmem:s7], [sflag:$0x1] =	stream.linear.gather [hbm4b:s2+s3], $0x2800, $0x38;
	[tilespmem:$0x4F80] =	vst v63  }
0xe: {  	_ =	swait.ge [sflag:s8], $0x2800  }
0xf: {  	[sflag:s8] =	ssyncset.done $0x0  }
0x10: {  	[sflag:s8] =	ssyncadd.s32 $0xFFFFD800  }
0x11: {  	[tilespmem:s3], [sflag:$0x1] =	stream.linear.gather [hbm4b:s4+s3], $0x2710, $0x38;
	[tilespmem:$0x4F80] =	vst v63  }
0x12: {  	_ =	swait.ge [sflag:s8], $0x2710  }
0x13: {  	[sflag:s8] =	ssyncset.done $0x0  }
0x14: {  	s12 =	simm.s32 $0x0;
	[sflag:s8] =	ssyncadd.s32 $0xFFFFD8F0  }
.LBB2_2:
0x15: {  	s13 =	sshra.s32 s12, $0x2  }
0x16: {  	v1 =	vld [tilespmem:s13+$0x0];
	_ =	sdelay $0x7  }
0x17: {  	[tilespmem:v1+s7+$0x0] =	vst.idx.add.f32.msk $0xffff, v0  }
0x18: {  	v1 =	vld [tilespmem:s13+$0x10];
	_ =	sdelay $0x7  }
0x19: {  	[tilespmem:v1+s7+$0x0] =	vst.idx.add.f32.msk $0xffff, v0  }
0x1a: {  	v1 =	vld [tilespmem:s13+$0x20];
	_ =	sdelay $0x7  }
0x1b: {  	[tilespmem:v1+s7+$0x0] =	vst.idx.add.f32.msk $0xffff, v0  }
0x1c: {  	v1 =	vld [tilespmem:s13+$0x30];
	_ =	sdelay $0x7  }
0x1d: {  	[tilespmem:v1+s7+$0x0] =	vst.idx.add.f32.msk $0xffff, v0  }
0x1e: {  	v1 =	vld [tilespmem:s13+$0x40];
	_ =	sdelay $0x2  }
0x1f: {  	p0 =	sne.s32 s12, $0x9B00  }
.Ltmp0:
0x20: {  	_ = 	snop;
	(pc) =	sbr.rel @p0 .LBB2_2-.Ltmp0, $2  }
0x21: {  	_ =	sdelay $0x2  }
0x22: {  	s12 =	sadd.s32 $0x140, s12;
	[tilespmem:v1+s7+$0x0] =	vst.idx.add.f32.msk $0xffff, v0  }
0x23: {  	s11 =	sadd.s32 $0x1, s11  }
0x24: {  	p0 =	sne.s32 s11, s6  }
.Ltmp1:
0x25: {  	_ = 	snop;
	(pc) =	sbr.rel @p0 .LBB2_1-.Ltmp1, $4  }
0x26: {  	[hbm4b:s5+s9] =	stream.strided.scatter [tilespmem:s7], [sflag:$0x1], $0x2800, s10, s9, $0x38;
	[tilespmem:$0x4F80] =	vst v63  }
0x27: {  	_ =	swait.ge [sflag:s8], $0x2800  }
0x28: {  	[sflag:s8] =	ssyncset.done $0x0  }
0x29: {  	[sflag:s8] =	ssyncadd.s32 $0xFFFFD800  }
0x2a: {  	_ =	sfence.sel $0x180000  }
0x2b: {  	[bflag:$0x0] =	sbarrier.arrive $0xFFFF  }
0x2c: {  	p0 =	sne.s32 s0, $0x0;
	_ =	strace $0x90000047  }
0x2d: {  	s0 =	sadd.s32 @!p0 $0x100000, s1;
	[bflag:$0x2] =	sbarrier.arrive $0xFFFF  }
0x2e: {  	[sflag:s0] =	ssyncadd.tile.s32 @!p0 $0x1;
	_ =	shalt  }
.Lfunc_end2:
_tile_overlayer_lowered:
.L_overlay_start_2:
0x2f: {  	(tag) =	ssettag $0x2  }
0x30: {  	s0 =	rddreg [dreg:$0x0];
	s2 =	stileid.u32  }
0x31: {  	s1 =	rddreg [dreg:$0x1];
	p0 =	sne.s32 s2, $0x0  }
0x32: {  	s3 =	rddreg [dreg:$0x2];
	[bflag:$0x3] =	sbarrier.arrive $0xFFFF;
	s2 =	simm.s32 @!p0 $0x1C01  }
0x33: {  	[timem:s3], [sflag:s2] =	dma.local @!p0 [hbm:s0], s1  }
0x34: {  	s0 =	simm.s32 @!p0 $0x1  }
0x35: {  	_ =	swait.ge @!p0 [sflag:s0], s1  }
0x36: {  	s1 =	ssub.s32 @!p0 $0x0, s1;
	[sflag:s0] =	ssyncset.done @!p0 $0x0  }
0x37: {  	[sflag:s0] =	ssyncadd.s32 @!p0 s1  }
0x38: {  	[bflag:$0x3] =	sbarrier.arrive $0xFFFF  }
0x39: {  	_ =	shalt  }

</sc_bundles>
